<compile_context>
chip_gen: v7x
topology: tpu7x:2x2x1
jax: 0.10.2.dev20260603
libtpu: 0.0.44.dev20260713+nightly
codegen_flags: <defaults>
</compile_context>

<pallas_src>
import functools

import jax
import jax.numpy as jnp
from jax import lax
from jax.experimental import pallas as pl
from jax.experimental.pallas import tpu as pltpu
from jax.experimental.pallas import tpu_sc as plsc

N_TOK = 16384
K = 1024
D = 256
ROWS = 2048
GRID = N_TOK // ROWS
C = 512
NCH = K // C

NW = 32
B_PER_W = N_TOK // NW
CH = 4
ROWS_CH = B_PER_W // CH


def _dist_argmin_body(z_ref, e_ref, idx_ref, minsum_ref, esq_ref, e2_ref):
    i = pl.program_id(0)
    z = z_ref[...]

    @pl.when(i == 0)
    def _():
        e = e_ref[...]
        esq_ref[...] = jnp.sum(e * e, axis=1, keepdims=True)
        e2_ref[...] = e * (-2.0)

    zsq_col = jnp.sum(z * z, axis=1, keepdims=True)
    zsq = zsq_col.T
    subiota = lax.broadcasted_iota(jnp.int32, (8, ROWS), 0).astype(jnp.float32)

    def chunk(j, carry):
        rmin, ridx = carry
        del carry
        ec2 = e2_ref[pl.ds(j * C, C), :]
        prod2 = lax.dot_general(ec2, z, (((1,), (1,)), ((), ())),
                                preferred_element_type=jnp.float32)
        esq_c = esq_ref[pl.ds(j * C, C), :]
        dist = (zsq + esq_c) + prod2
        kbase = (j * (C // 8)).astype(jnp.float32)
        for k in range(C // 8):
            blk = lax.slice(dist, (8 * k, 0), (8 * k + 8, ROWS))
            better = blk < rmin
            rmin = jnp.where(better, blk, rmin)
            ridx = jnp.where(better, kbase + jnp.float32(k), ridx)
        return rmin, ridx

    carry = (jnp.full((8, ROWS), 3.0e38, jnp.float32),
             jnp.zeros((8, ROWS), jnp.float32))
    for j in range(NCH):
        carry = chunk(jnp.int32(j), carry)
    rmin, ridx = carry

    idxf = ridx * 8.0 + subiota
    vals, idxs = rmin, idxf
    for half in (4, 2, 1):
        vt, vb = vals[:half, :], vals[half:2 * half, :]
        it, ib = idxs[:half, :], idxs[half:2 * half, :]
        take_b = jnp.logical_or(vb < vt,
                                jnp.logical_and(vb == vt, ib < it))
        vals = jnp.where(take_b, vb, vt)
        idxs = jnp.where(take_b, ib, it)

    idx_ref[0, 0, :] = idxs[0, :].astype(jnp.int32)

    @pl.when(i == 0)
    def _():
        minsum_ref[0, 0] = 0.0

    minsum_ref[0, 0] += jnp.sum(vals[0, :])

    @pl.when(i == GRID - 1)
    def _():
        minsum_ref[0, 0] = minsum_ref[0, 0] * (1.25 / (N_TOK * D))


def _dist_argmin(z_flat, embedding):
    return pl.pallas_call(
        _dist_argmin_body,
        grid=(GRID,),
        in_specs=[
            pl.BlockSpec((ROWS, D), lambda i: (i, 0)),
            pl.BlockSpec((K, D), lambda i: (0, 0)),
        ],
        out_specs=[
            pl.BlockSpec((1, 1, ROWS), lambda i: (i, 0, 0)),
            pl.BlockSpec(memory_space=pltpu.SMEM),
        ],
        out_shape=[
            jax.ShapeDtypeStruct((GRID, 1, ROWS), jnp.int32),
            jax.ShapeDtypeStruct((1, 1), jnp.float32),
        ],
        scratch_shapes=[
            pltpu.VMEM((K, 1), jnp.float32),
            pltpu.VMEM((K, D), jnp.float32),
        ],
    )(z_flat, embedding)


def _sc_gather(embedding, idx_grouped):
    mesh = plsc.VectorSubcoreMesh(core_axis_name="c", subcore_axis_name="s")

    @functools.partial(
        pl.kernel,
        mesh=mesh,
        out_type=jax.ShapeDtypeStruct((N_TOK, D), jnp.float32),
        scratch_types=[
            pltpu.VMEM((CH, ROWS_CH), jnp.int32),
            pltpu.VMEM((ROWS_CH, D), jnp.float32),
            pltpu.VMEM((ROWS_CH, D), jnp.float32),
            pltpu.SemaphoreType.DMA,
            pltpu.SemaphoreType.DMA,
        ],
    )
    def gather_k(table_hbm, idx_hbm, out_hbm, idx_v, rows_a, rows_b, gsem, ssem):
        wid = lax.axis_index("s") * 2 + lax.axis_index("c")
        base = wid * B_PER_W
        bufs = (rows_a, rows_b)
        pltpu.sync_copy(idx_hbm.at[wid], idx_v)
        g = pltpu.async_copy(table_hbm.at[idx_v.at[0]], bufs[0], gsem)
        prev_s = None
        for c in range(CH):
            if prev_s is not None:
                prev_s.wait()
            if c + 1 < CH:
                g_next = pltpu.async_copy(table_hbm.at[idx_v.at[c + 1]],
                                          bufs[(c + 1) % 2], gsem)
            g.wait()
            prev_s = pltpu.async_copy(
                bufs[c % 2], out_hbm.at[pl.ds(base + c * ROWS_CH, ROWS_CH)], ssem)
            if c + 1 < CH:
                g = g_next
        prev_s.wait()

    return gather_k(embedding, idx_grouped)


def kernel(z_flat, embedding):
    idx3, minsum = _dist_argmin(z_flat, embedding)
    indices = idx3.reshape(N_TOK)
    loss = minsum[0, 0]
    quantized = _sc_gather(embedding, indices.reshape(NW, CH, ROWS_CH))
    return (loss, quantized, indices)

# --- scband reference (transcript-rebuilt; emitter-appended) ---
"""Pipeline reference for scband-flattened-vector-quantizer-28509992911404 (READ-ONLY COPY).

The authoritative reference and input builder live on the scoring server;
editing this copy changes nothing except your own understanding.
"""

import jax, jax.numpy as jnp
import numpy as np

CODEBOOK_SIZE = 1024
CODE_DIM = 256
COMMITMENT_COST = 0.25
N_TOKENS = 16384


def setup_inputs(seed: int = 0) -> dict:
    key = jax.random.key(seed)
    k1, k2 = jax.random.split(key)
    z_flat = jax.random.normal(k1, (N_TOKENS, CODE_DIM), dtype=jnp.float32)
    # nn.Embedding weight initialized with normal(mean=0, std=0.02) per init_method='normal'
    embedding = jax.random.normal(k2, (CODEBOOK_SIZE, CODE_DIM), dtype=jnp.float32) * 0.02
    return {"z_flat": z_flat, "embedding": embedding}


def reference(z_flat, embedding):
    # distances: ||z||^2 + ||e||^2 - 2 z e^T  -> [N, K]
    distances = (
        jnp.sum(z_flat ** 2, axis=1, keepdims=True)
        + jnp.sum(embedding ** 2, axis=1)
        - 2.0 * jnp.matmul(z_flat, embedding.T)
    )
    indices = jnp.argmin(distances, axis=1)
    quantized = jnp.take(embedding, indices, axis=0)
    e_latent_loss = jnp.mean((jax.lax.stop_gradient(quantized) - z_flat) ** 2)
    q_latent_loss = jnp.mean((quantized - jax.lax.stop_gradient(z_flat)) ** 2)
    loss = q_latent_loss + COMMITMENT_COST * e_latent_loss
    # straight-through estimator
    quantized_st = z_flat + jax.lax.stop_gradient(quantized - z_flat)
    return (loss, quantized_st, indices)

if __name__ == "__main__":
    import jax
    _d = setup_inputs()
    print(jax.jit(kernel)(*tuple(_d.values())))

</pallas_src>

<mosaic_0001>
#map = affine_map<(d0, d1) -> (0, 0)>
#map1 = affine_map<(d0, d1) -> (0, 0, 0)>
module attributes {stable_mosaic.version = 14 : i64} {
  func.func @gather_k(%arg0: i32, %arg1: i32, %arg2: memref<1024x256xf32, #tpu.memory_space<hbm>>, %arg3: memref<32x4x128xi32, #tpu.memory_space<hbm>>, %arg4: memref<16384x256xf32, #tpu.memory_space<hbm>>, %arg5: memref<4x128xi32, #tpu.memory_space<vmem>>, %arg6: memref<128x256xf32, #tpu.memory_space<vmem>>, %arg7: memref<128x256xf32, #tpu.memory_space<vmem>>, %arg8: memref<!tpu.dma_semaphore, #tpu.memory_space<semaphore_mem>>, %arg9: memref<!tpu.dma_semaphore, #tpu.memory_space<semaphore_mem>>) attributes {dimension_semantics = [#tpu.dimension_semantics<core_parallel>, #tpu.dimension_semantics<subcore_parallel>], iteration_bounds = array<i64: 2, 16>, scalar_prefetch = 0 : i64, scratch_operands = 5 : i64, tpu.core_type = #tpu.core_type<sc_vector_subcore>, window_params = [{transform_indices = #map}, {transform_indices = #map1}, {transform_indices = #map}]} {
    %mul3A = arith.constant 2 : i32
    %mul3A_0 = arith.muli %arg1, %mul3A : i32
    %add3A = arith.addi %mul3A_0, %arg0 : i32
    %mul3A_1 = arith.constant 512 : i32
    %mul3A_2 = arith.muli %add3A, %mul3A_1 : i32
    "tpu.region"() ({
      %run_scoped3A = tpu.sem_alloc : memref<!tpu.dma_semaphore, #tpu.memory_space<semaphore_mem>>
      %dma_start3A_97 = arith.constant 0 : i32
      %dma_start3A_98 = arith.constant 0 : i32
      %dma_start3A_99 = tpu.memref_slice %arg3[%add3A, %dma_start3A_97, %dma_start3A_98] : memref<32x4x128xi32, #tpu.memory_space<hbm>> -> memref<1x4x128xi32, #tpu.memory_space<hbm>>
      %dma_start3A_100 = tpu.memref_squeeze %dma_start3A_99 : memref<1x4x128xi32, #tpu.memory_space<hbm>> -> memref<4x128xi32, #tpu.memory_space<hbm>>
      %dma_start3A_101 = arith.constant 0 : i32
      %dma_start3A_102 = arith.constant 0 : i32
      %dma_start3A_103 = tpu.memref_slice %arg3[%add3A, %dma_start3A_101, %dma_start3A_102] : memref<32x4x128xi32, #tpu.memory_space<hbm>> -> memref<1x4x128xi32, #tpu.memory_space<hbm>>
      %dma_start3A_104 = tpu.memref_squeeze %dma_start3A_103 : memref<1x4x128xi32, #tpu.memory_space<hbm>> -> memref<4x128xi32, #tpu.memory_space<hbm>>
      tpu.enqueue_dma source(%dma_start3A_104 : memref<4x128xi32, #tpu.memory_space<hbm>>) target(%arg5 : memref<4x128xi32, #tpu.memory_space<vmem>>) target_semaphore(%run_scoped3A : memref<!tpu.dma_semaphore, #tpu.memory_space<semaphore_mem>>)
      %dma_wait3A_105 = arith.constant 0 : i32
      %dma_wait3A_106 = arith.constant 0 : i32
      %dma_wait3A_107 = tpu.memref_slice %arg3[%add3A, %dma_wait3A_105, %dma_wait3A_106] : memref<32x4x128xi32, #tpu.memory_space<hbm>> -> memref<1x4x128xi32, #tpu.memory_space<hbm>>
      %dma_wait3A_108 = tpu.memref_squeeze %dma_wait3A_107 : memref<1x4x128xi32, #tpu.memory_space<hbm>> -> memref<4x128xi32, #tpu.memory_space<hbm>>
      %dma_wait3A_109 = arith.constant 0 : i32
      %dma_wait3A_110 = arith.constant 0 : i32
      %dma_wait3A_111 = tpu.memref_slice %arg3[%add3A, %dma_wait3A_109, %dma_wait3A_110] : memref<32x4x128xi32, #tpu.memory_space<hbm>> -> memref<1x4x128xi32, #tpu.memory_space<hbm>>
      %dma_wait3A_112 = tpu.memref_squeeze %dma_wait3A_111 : memref<1x4x128xi32, #tpu.memory_space<hbm>> -> memref<4x128xi32, #tpu.memory_space<hbm>>
      tpu.wait_dma2 semaphore(%run_scoped3A : memref<!tpu.dma_semaphore, #tpu.memory_space<semaphore_mem>>) src(%dma_wait3A_112 : memref<4x128xi32, #tpu.memory_space<hbm>>) dst(%arg5 : memref<4x128xi32, #tpu.memory_space<vmem>>)
      tpu.yield
    }) : () -> ()
    %dma_start3A = arith.constant 0 : i32
    %dma_start3A_3 = arith.constant 0 : i32
    %dma_start3A_4 = tpu.memref_slice %arg5[%dma_start3A, %dma_start3A_3] : memref<4x128xi32, #tpu.memory_space<vmem>> -> memref<1x128xi32, #tpu.memory_space<vmem>>
    %dma_start3A_5 = tpu.memref_squeeze %dma_start3A_4 : memref<1x128xi32, #tpu.memory_space<vmem>> -> memref<128xi32, #tpu.memory_space<vmem>>
    %dma_start3A_6 = arith.constant 0 : i32
    %dma_start3A_7 = arith.constant 0 : i32
    %dma_start3A_8 = tpu.memref_slice %arg2[%dma_start3A_6, %dma_start3A_7] : memref<1024x256xf32, #tpu.memory_space<hbm>> -> memref<1024x256xf32, #tpu.memory_space<hbm>>
    tpu.enqueue_indirect_dma source(%dma_start3A_8 : memref<1024x256xf32, #tpu.memory_space<hbm>>) target(%arg6 : memref<128x256xf32, #tpu.memory_space<vmem>>) offsets(%dma_start3A_5 : memref<128xi32, #tpu.memory_space<vmem>>) semaphore(%arg8 : memref<!tpu.dma_semaphore, #tpu.memory_space<semaphore_mem>>)
    %dma_start3A_9 = arith.constant 1 : i32
    %dma_start3A_10 = arith.constant 0 : i32
    %dma_start3A_11 = tpu.memref_slice %arg5[%dma_start3A_9, %dma_start3A_10] : memref<4x128xi32, #tpu.memory_space<vmem>> -> memref<1x128xi32, #tpu.memory_space<vmem>>
    %dma_start3A_12 = tpu.memref_squeeze %dma_start3A_11 : memref<1x128xi32, #tpu.memory_space<vmem>> -> memref<128xi32, #tpu.memory_space<vmem>>
    %dma_start3A_13 = arith.constant 0 : i32
    %dma_start3A_14 = arith.constant 0 : i32
    %dma_start3A_15 = tpu.memref_slice %arg2[%dma_start3A_13, %dma_start3A_14] : memref<1024x256xf32, #tpu.memory_space<hbm>> -> memref<1024x256xf32, #tpu.memory_space<hbm>>
    tpu.enqueue_indirect_dma source(%dma_start3A_15 : memref<1024x256xf32, #tpu.memory_space<hbm>>) target(%arg7 : memref<128x256xf32, #tpu.memory_space<vmem>>) offsets(%dma_start3A_12 : memref<128xi32, #tpu.memory_space<vmem>>) semaphore(%arg8 : memref<!tpu.dma_semaphore, #tpu.memory_space<semaphore_mem>>)
    %dma_wait3A = arith.constant 0 : i32
    %dma_wait3A_16 = arith.constant 0 : i32
    %dma_wait3A_17 = tpu.memref_slice %arg5[%dma_wait3A, %dma_wait3A_16] : memref<4x128xi32, #tpu.memory_space<vmem>> -> memref<1x128xi32, #tpu.memory_space<vmem>>
    %dma_wait3A_18 = tpu.memref_squeeze %dma_wait3A_17 : memref<1x128xi32, #tpu.memory_space<vmem>> -> memref<128xi32, #tpu.memory_space<vmem>>
    %dma_wait3A_19 = arith.constant 0 : i32
    %dma_wait3A_20 = arith.constant 0 : i32
    %dma_wait3A_21 = tpu.memref_slice %arg2[%dma_wait3A_19, %dma_wait3A_20] : memref<1024x256xf32, #tpu.memory_space<hbm>> -> memref<1024x256xf32, #tpu.memory_space<hbm>>
    tpu.wait_indirect_dma semaphore(%arg8 : memref<!tpu.dma_semaphore, #tpu.memory_space<semaphore_mem>>) src(%dma_wait3A_21 : memref<1024x256xf32, #tpu.memory_space<hbm>>) dst(%arg6 : memref<128x256xf32, #tpu.memory_space<vmem>>)
    %add3A_22 = arith.constant 0 : i32
    %add3A_23 = arith.addi %mul3A_2, %add3A_22 : i32
    %dma_start3A_24 = arith.constant 0 : i32
    %dma_start3A_25 = tpu.memref_slice %arg4[%add3A_23, %dma_start3A_24] : memref<16384x256xf32, #tpu.memory_space<hbm>> -> memref<128x256xf32, #tpu.memory_space<hbm>>
    %dma_start3A_26 = arith.constant 0 : i32
    %dma_start3A_27 = tpu.memref_slice %arg4[%add3A_23, %dma_start3A_26] : memref<16384x256xf32, #tpu.memory_space<hbm>> -> memref<128x256xf32, #tpu.memory_space<hbm>>
    tpu.enqueue_dma source(%arg6 : memref<128x256xf32, #tpu.memory_space<vmem>>) target(%dma_start3A_27 : memref<128x256xf32, #tpu.memory_space<hbm>>) target_semaphore(%arg9 : memref<!tpu.dma_semaphore, #tpu.memory_space<semaphore_mem>>)
    %dma_wait3A_28 = arith.constant 0 : i32
    %dma_wait3A_29 = tpu.memref_slice %arg4[%add3A_23, %dma_wait3A_28] : memref<16384x256xf32, #tpu.memory_space<hbm>> -> memref<128x256xf32, #tpu.memory_space<hbm>>
    %dma_wait3A_30 = arith.constant 0 : i32
    %dma_wait3A_31 = tpu.memref_slice %arg4[%add3A_23, %dma_wait3A_30] : memref<16384x256xf32, #tpu.memory_space<hbm>> -> memref<128x256xf32, #tpu.memory_space<hbm>>
    tpu.wait_dma2 semaphore(%arg9 : memref<!tpu.dma_semaphore, #tpu.memory_space<semaphore_mem>>) src(%arg6 : memref<128x256xf32, #tpu.memory_space<vmem>>) dst(%dma_wait3A_31 : memref<128x256xf32, #tpu.memory_space<hbm>>)
    %dma_start3A_32 = arith.constant 2 : i32
    %dma_start3A_33 = arith.constant 0 : i32
    %dma_start3A_34 = tpu.memref_slice %arg5[%dma_start3A_32, %dma_start3A_33] : memref<4x128xi32, #tpu.memory_space<vmem>> -> memref<1x128xi32, #tpu.memory_space<vmem>>
    %dma_start3A_35 = tpu.memref_squeeze %dma_start3A_34 : memref<1x128xi32, #tpu.memory_space<vmem>> -> memref<128xi32, #tpu.memory_space<vmem>>
    %dma_start3A_36 = arith.constant 0 : i32
    %dma_start3A_37 = arith.constant 0 : i32
    %dma_start3A_38 = tpu.memref_slice %arg2[%dma_start3A_36, %dma_start3A_37] : memref<1024x256xf32, #tpu.memory_space<hbm>> -> memref<1024x256xf32, #tpu.memory_space<hbm>>
    tpu.enqueue_indirect_dma source(%dma_start3A_38 : memref<1024x256xf32, #tpu.memory_space<hbm>>) target(%arg6 : memref<128x256xf32, #tpu.memory_space<vmem>>) offsets(%dma_start3A_35 : memref<128xi32, #tpu.memory_space<vmem>>) semaphore(%arg8 : memref<!tpu.dma_semaphore, #tpu.memory_space<semaphore_mem>>)
    %dma_wait3A_39 = arith.constant 1 : i32
    %dma_wait3A_40 = arith.constant 0 : i32
    %dma_wait3A_41 = tpu.memref_slice %arg5[%dma_wait3A_39, %dma_wait3A_40] : memref<4x128xi32, #tpu.memory_space<vmem>> -> memref<1x128xi32, #tpu.memory_space<vmem>>
    %dma_wait3A_42 = tpu.memref_squeeze %dma_wait3A_41 : memref<1x128xi32, #tpu.memory_space<vmem>> -> memref<128xi32, #tpu.memory_space<vmem>>
    %dma_wait3A_43 = arith.constant 0 : i32
    %dma_wait3A_44 = arith.constant 0 : i32
    %dma_wait3A_45 = tpu.memref_slice %arg2[%dma_wait3A_43, %dma_wait3A_44] : memref<1024x256xf32, #tpu.memory_space<hbm>> -> memref<1024x256xf32, #tpu.memory_space<hbm>>
    tpu.wait_indirect_dma semaphore(%arg8 : memref<!tpu.dma_semaphore, #tpu.memory_space<semaphore_mem>>) src(%dma_wait3A_45 : memref<1024x256xf32, #tpu.memory_space<hbm>>) dst(%arg7 : memref<128x256xf32, #tpu.memory_space<vmem>>)
    %add3A_46 = arith.constant 128 : i32
    %add3A_47 = arith.addi %mul3A_2, %add3A_46 : i32
    %dma_start3A_48 = arith.constant 0 : i32
    %dma_start3A_49 = tpu.memref_slice %arg4[%add3A_47, %dma_start3A_48] : memref<16384x256xf32, #tpu.memory_space<hbm>> -> memref<128x256xf32, #tpu.memory_space<hbm>>
    %dma_start3A_50 = arith.constant 0 : i32
    %dma_start3A_51 = tpu.memref_slice %arg4[%add3A_47, %dma_start3A_50] : memref<16384x256xf32, #tpu.memory_space<hbm>> -> memref<128x256xf32, #tpu.memory_space<hbm>>
    tpu.enqueue_dma source(%arg7 : memref<128x256xf32, #tpu.memory_space<vmem>>) target(%dma_start3A_51 : memref<128x256xf32, #tpu.memory_space<hbm>>) target_semaphore(%arg9 : memref<!tpu.dma_semaphore, #tpu.memory_space<semaphore_mem>>)
    %dma_wait3A_52 = arith.constant 0 : i32
    %dma_wait3A_53 = tpu.memref_slice %arg4[%add3A_47, %dma_wait3A_52] : memref<16384x256xf32, #tpu.memory_space<hbm>> -> memref<128x256xf32, #tpu.memory_space<hbm>>
    %dma_wait3A_54 = arith.constant 0 : i32
    %dma_wait3A_55 = tpu.memref_slice %arg4[%add3A_47, %dma_wait3A_54] : memref<16384x256xf32, #tpu.memory_space<hbm>> -> memref<128x256xf32, #tpu.memory_space<hbm>>
    tpu.wait_dma2 semaphore(%arg9 : memref<!tpu.dma_semaphore, #tpu.memory_space<semaphore_mem>>) src(%arg7 : memref<128x256xf32, #tpu.memory_space<vmem>>) dst(%dma_wait3A_55 : memref<128x256xf32, #tpu.memory_space<hbm>>)
    %dma_start3A_56 = arith.constant 3 : i32
    %dma_start3A_57 = arith.constant 0 : i32
    %dma_start3A_58 = tpu.memref_slice %arg5[%dma_start3A_56, %dma_start3A_57] : memref<4x128xi32, #tpu.memory_space<vmem>> -> memref<1x128xi32, #tpu.memory_space<vmem>>
    %dma_start3A_59 = tpu.memref_squeeze %dma_start3A_58 : memref<1x128xi32, #tpu.memory_space<vmem>> -> memref<128xi32, #tpu.memory_space<vmem>>
    %dma_start3A_60 = arith.constant 0 : i32
    %dma_start3A_61 = arith.constant 0 : i32
    %dma_start3A_62 = tpu.memref_slice %arg2[%dma_start3A_60, %dma_start3A_61] : memref<1024x256xf32, #tpu.memory_space<hbm>> -> memref<1024x256xf32, #tpu.memory_space<hbm>>
    tpu.enqueue_indirect_dma source(%dma_start3A_62 : memref<1024x256xf32, #tpu.memory_space<hbm>>) target(%arg7 : memref<128x256xf32, #tpu.memory_space<vmem>>) offsets(%dma_start3A_59 : memref<128xi32, #tpu.memory_space<vmem>>) semaphore(%arg8 : memref<!tpu.dma_semaphore, #tpu.memory_space<semaphore_mem>>)
    %dma_wait3A_63 = arith.constant 2 : i32
    %dma_wait3A_64 = arith.constant 0 : i32
    %dma_wait3A_65 = tpu.memref_slice %arg5[%dma_wait3A_63, %dma_wait3A_64] : memref<4x128xi32, #tpu.memory_space<vmem>> -> memref<1x128xi32, #tpu.memory_space<vmem>>
    %dma_wait3A_66 = tpu.memref_squeeze %dma_wait3A_65 : memref<1x128xi32, #tpu.memory_space<vmem>> -> memref<128xi32, #tpu.memory_space<vmem>>
    %dma_wait3A_67 = arith.constant 0 : i32
    %dma_wait3A_68 = arith.constant 0 : i32
    %dma_wait3A_69 = tpu.memref_slice %arg2[%dma_wait3A_67, %dma_wait3A_68] : memref<1024x256xf32, #tpu.memory_space<hbm>> -> memref<1024x256xf32, #tpu.memory_space<hbm>>
    tpu.wait_indirect_dma semaphore(%arg8 : memref<!tpu.dma_semaphore, #tpu.memory_space<semaphore_mem>>) src(%dma_wait3A_69 : memref<1024x256xf32, #tpu.memory_space<hbm>>) dst(%arg6 : memref<128x256xf32, #tpu.memory_space<vmem>>)
    %add3A_70 = arith.constant 256 : i32
    %add3A_71 = arith.addi %mul3A_2, %add3A_70 : i32
    %dma_start3A_72 = arith.constant 0 : i32
    %dma_start3A_73 = tpu.memref_slice %arg4[%add3A_71, %dma_start3A_72] : memref<16384x256xf32, #tpu.memory_space<hbm>> -> memref<128x256xf32, #tpu.memory_space<hbm>>
    %dma_start3A_74 = arith.constant 0 : i32
    %dma_start3A_75 = tpu.memref_slice %arg4[%add3A_71, %dma_start3A_74] : memref<16384x256xf32, #tpu.memory_space<hbm>> -> memref<128x256xf32, #tpu.memory_space<hbm>>
    tpu.enqueue_dma source(%arg6 : memref<128x256xf32, #tpu.memory_space<vmem>>) target(%dma_start3A_75 : memref<128x256xf32, #tpu.memory_space<hbm>>) target_semaphore(%arg9 : memref<!tpu.dma_semaphore, #tpu.memory_space<semaphore_mem>>)
    %dma_wait3A_76 = arith.constant 0 : i32
    %dma_wait3A_77 = tpu.memref_slice %arg4[%add3A_71, %dma_wait3A_76] : memref<16384x256xf32, #tpu.memory_space<hbm>> -> memref<128x256xf32, #tpu.memory_space<hbm>>
    %dma_wait3A_78 = arith.constant 0 : i32
    %dma_wait3A_79 = tpu.memref_slice %arg4[%add3A_71, %dma_wait3A_78] : memref<16384x256xf32, #tpu.memory_space<hbm>> -> memref<128x256xf32, #tpu.memory_space<hbm>>
    tpu.wait_dma2 semaphore(%arg9 : memref<!tpu.dma_semaphore, #tpu.memory_space<semaphore_mem>>) src(%arg6 : memref<128x256xf32, #tpu.memory_space<vmem>>) dst(%dma_wait3A_79 : memref<128x256xf32, #tpu.memory_space<hbm>>)
    %dma_wait3A_80 = arith.constant 3 : i32
    %dma_wait3A_81 = arith.constant 0 : i32
    %dma_wait3A_82 = tpu.memref_slice %arg5[%dma_wait3A_80, %dma_wait3A_81] : memref<4x128xi32, #tpu.memory_space<vmem>> -> memref<1x128xi32, #tpu.memory_space<vmem>>
    %dma_wait3A_83 = tpu.memref_squeeze %dma_wait3A_82 : memref<1x128xi32, #tpu.memory_space<vmem>> -> memref<128xi32, #tpu.memory_space<vmem>>
    %dma_wait3A_84 = arith.constant 0 : i32
    %dma_wait3A_85 = arith.constant 0 : i32
    %dma_wait3A_86 = tpu.memref_slice %arg2[%dma_wait3A_84, %dma_wait3A_85] : memref<1024x256xf32, #tpu.memory_space<hbm>> -> memref<1024x256xf32, #tpu.memory_space<hbm>>
    tpu.wait_indirect_dma semaphore(%arg8 : memref<!tpu.dma_semaphore, #tpu.memory_space<semaphore_mem>>) src(%dma_wait3A_86 : memref<1024x256xf32, #tpu.memory_space<hbm>>) dst(%arg7 : memref<128x256xf32, #tpu.memory_space<vmem>>)
    %add3A_87 = arith.constant 384 : i32
    %add3A_88 = arith.addi %mul3A_2, %add3A_87 : i32
    %dma_start3A_89 = arith.constant 0 : i32
    %dma_start3A_90 = tpu.memref_slice %arg4[%add3A_88, %dma_start3A_89] : memref<16384x256xf32, #tpu.memory_space<hbm>> -> memref<128x256xf32, #tpu.memory_space<hbm>>
    %dma_start3A_91 = arith.constant 0 : i32
    %dma_start3A_92 = tpu.memref_slice %arg4[%add3A_88, %dma_start3A_91] : memref<16384x256xf32, #tpu.memory_space<hbm>> -> memref<128x256xf32, #tpu.memory_space<hbm>>
    tpu.enqueue_dma source(%arg7 : memref<128x256xf32, #tpu.memory_space<vmem>>) target(%dma_start3A_92 : memref<128x256xf32, #tpu.memory_space<hbm>>) target_semaphore(%arg9 : memref<!tpu.dma_semaphore, #tpu.memory_space<semaphore_mem>>)
    %dma_wait3A_93 = arith.constant 0 : i32
    %dma_wait3A_94 = tpu.memref_slice %arg4[%add3A_88, %dma_wait3A_93] : memref<16384x256xf32, #tpu.memory_space<hbm>> -> memref<128x256xf32, #tpu.memory_space<hbm>>
    %dma_wait3A_95 = arith.constant 0 : i32
    %dma_wait3A_96 = tpu.memref_slice %arg4[%add3A_88, %dma_wait3A_95] : memref<16384x256xf32, #tpu.memory_space<hbm>> -> memref<128x256xf32, #tpu.memory_space<hbm>>
    tpu.wait_dma2 semaphore(%arg9 : memref<!tpu.dma_semaphore, #tpu.memory_space<semaphore_mem>>) src(%arg7 : memref<128x256xf32, #tpu.memory_space<vmem>>) dst(%dma_wait3A_96 : memref<128x256xf32, #tpu.memory_space<hbm>>)
    return
  }
}

module attributes {stable_mosaic.version = 14 : i64} {
  func.func @_dist_argmin_body(%arg0: i32, %arg1: memref<2048x256xf32, #tpu.memory_space<vmem>>, %arg2: memref<1024x256xf32, #tpu.memory_space<vmem>>, %arg3: memref<1x1x2048xi32, #tpu.memory_space<vmem>>, %arg4: memref<1x1xf32, #tpu.memory_space<smem>>, %arg5: memref<1024x1xf32, #tpu.memory_space<vmem>>, %arg6: memref<1024x256xf32, #tpu.memory_space<vmem>>) attributes {dimension_semantics = [#tpu.dimension_semantics<arbitrary>], iteration_bounds = array<i64: 8>, scalar_prefetch = 0 : i64, scratch_operands = 2 : i64, tpu.core_type = #tpu.core_type<tc>, window_params = [{transform_indices = @transform_0, window_bounds = array<i64: 2048, 256>}, {pipeline_mode = #tpu.pipeline_mode<synchronous>, transform_indices = @transform_1, window_bounds = array<i64: 1024, 256>}, {transform_indices = @transform_2, window_bounds = array<i64: 1, 1, 2048>}, {transform_indices = @transform_3, window_bounds = array<i64: 1, 1>}]} {
    %get3A = arith.constant 0 : index
    %get3A_0 = arith.constant 0 : index
    %get3A_1 = vector.load %arg1[%get3A, %get3A_0] : memref<2048x256xf32, #tpu.memory_space<vmem>>, vector<2048x256xf32>
    %eq3A = arith.constant 0 : i32
    %eq3A_2 = arith.cmpi eq, %arg0, %eq3A : i32
    %convert_element_type3A = arith.extui %eq3A_2 : i1 to i32
    %cond3A = arith.constant 0 : i32
    %cond3A_3 = arith.cmpi ne, %convert_element_type3A, %cond3A : i32
    scf.if %cond3A_3 {
      %get3A_1009 = arith.constant 0 : index
      %get3A_1010 = arith.constant 0 : index
      %get3A_1011 = vector.load %arg2[%get3A_1009, %get3A_1010] : memref<1024x256xf32, #tpu.memory_space<vmem>>, vector<1024x256xf32>
      %mul3A_1012 = arith.mulf %get3A_1011, %get3A_1011 : vector<1024x256xf32>
      %reduce_sum3A_1013 = arith.constant dense<0.000000e+00> : vector<1024xf32>
      %reduce_sum3A_1014 = vector.multi_reduction <add>, %mul3A_1012, %reduce_sum3A_1013 [1] : vector<1024x256xf32> to vector<1024xf32>
      %broadcast_in_dim3A_1015 = vector.shape_cast %reduce_sum3A_1014 : vector<1024xf32> to vector<1024x1xf32>
      %swap3A_1016 = arith.constant 0 : index
      %swap3A_1017 = arith.constant 0 : index
      %swap3A_1018 = vector.load %arg5[%swap3A_1016, %swap3A_1017] : memref<1024x1xf32, #tpu.memory_space<vmem>>, vector<1024x1xf32>
      tpu.vector_store %arg5[%swap3A_1016, %swap3A_1017], %broadcast_in_dim3A_1015 {strides = array<i32>} : memref<1024x1xf32, #tpu.memory_space<vmem>>, vector<1024x1xf32>,
      %mul3A_1019 = arith.constant -2.000000e+00 : f32
      %mul3A_1020 = vector.broadcast %mul3A_1019 : f32 to vector<1024x256xf32>
      %mul3A_1021 = arith.mulf %get3A_1011, %mul3A_1020 : vector<1024x256xf32>
      %swap3A_1022 = arith.constant 0 : index
      %swap3A_1023 = arith.constant 0 : index
      %swap3A_1024 = vector.load %arg6[%swap3A_1022, %swap3A_1023] : memref<1024x256xf32, #tpu.memory_space<vmem>>, vector<1024x256xf32>
      tpu.vector_store %arg6[%swap3A_1022, %swap3A_1023], %mul3A_1021 {strides = array<i32>} : memref<1024x256xf32, #tpu.memory_space<vmem>>, vector<1024x256xf32>,
    } else {
    }
    %mul3A = arith.mulf %get3A_1, %get3A_1 : vector<2048x256xf32>
    %reduce_sum3A = arith.constant dense<0.000000e+00> : vector<2048xf32>
    %reduce_sum3A_4 = vector.multi_reduction <add>, %mul3A, %reduce_sum3A [1] : vector<2048x256xf32> to vector<2048xf32>
    %broadcast_in_dim3A = vector.shape_cast %reduce_sum3A_4 : vector<2048xf32> to vector<2048x1xf32>
    %transpose3A = tpu.transpose %broadcast_in_dim3A, [1, 0] : vector<2048x1xf32> -> vector<1x2048xf32>
    %iota3A = tpu.iota {dimensions = array<i32: 0>} : vector<8x2048xi32>
    %convert_element_type3A_5 = arith.sitofp %iota3A : vector<8x2048xi32> to vector<8x2048xf32>
    %broadcast_in_dim3A_6 = arith.constant 3.000000e+38 : f32
    %broadcast_in_dim3A_7 = vector.broadcast %broadcast_in_dim3A_6 : f32 to vector<8x2048xf32>
    %broadcast_in_dim3A_8 = arith.constant 0.000000e+00 : f32
    %broadcast_in_dim3A_9 = vector.broadcast %broadcast_in_dim3A_8 : f32 to vector<8x2048xf32>
    %mul3A_10 = arith.constant 0 : i32
    %mul3A_11 = arith.constant 512 : i32
    %mul3A_12 = arith.muli %mul3A_10, %mul3A_11 : i32
    %get3A_13 = arith.index_cast %mul3A_12 : i32 to index
    %get3A_14 = arith.constant 0 : index
    %get3A_15 = vector.load %arg6[%get3A_13, %get3A_14] : memref<1024x256xf32, #tpu.memory_space<vmem>>, vector<512x256xf32>
    %dot_general3A = arith.constant dense<0.000000e+00> : vector<512x2048xf32>
    %dot_general3A_16 = tpu.matmul %get3A_15, %get3A_1, %dot_general3A {dimension_numbers = #tpu.dot_dimension_numbers<[1], [1], [0], [0], [0, 0, 1, 0], [], []>, transpose_lhs_hint = false} : vector<512x256xf32>, vector<2048x256xf32>, vector<512x2048xf32> -> vector<512x2048xf32>
    %mul3A_17 = arith.constant 0 : i32
    %mul3A_18 = arith.constant 512 : i32
    %mul3A_19 = arith.muli %mul3A_17, %mul3A_18 : i32
    %get3A_20 = arith.index_cast %mul3A_19 : i32 to index
    %get3A_21 = arith.constant 0 : index
    %get3A_22 = vector.load %arg5[%get3A_20, %get3A_21] : memref<1024x1xf32, #tpu.memory_space<vmem>>, vector<512x1xf32>
    %add3A = vector.broadcast %transpose3A : vector<1x2048xf32> to vector<512x2048xf32>
    %add3A_23 = vector.broadcast %get3A_22 : vector<512x1xf32> to vector<512x2048xf32>
    %add3A_24 = arith.addf %add3A, %add3A_23 : vector<512x2048xf32>
    %add3A_25 = arith.addf %add3A_24, %dot_general3A_16 : vector<512x2048xf32>
    %mul3A_26 = arith.constant 0 : i32
    %mul3A_27 = arith.constant 64 : i32
    %mul3A_28 = arith.muli %mul3A_26, %mul3A_27 : i32
    %convert_element_type3A_29 = arith.sitofp %mul3A_28 : i32 to f32
    %slice3A = vector.extract_strided_slice %add3A_25 {offsets = [0, 0], sizes = [8, 2048], strides = [1, 1]} : vector<512x2048xf32> to vector<8x2048xf32>
    %lt3A = arith.cmpf olt, %slice3A, %broadcast_in_dim3A_7 : vector<8x2048xf32>
    %select_n3A = arith.select %lt3A, %slice3A, %broadcast_in_dim3A_7 : vector<8x2048xi1>, vector<8x2048xf32>
    %add3A_30 = arith.constant 0.000000e+00 : f32
    %add3A_31 = arith.addf %convert_element_type3A_29, %add3A_30 : f32
    %broadcast_in_dim3A_32 = vector.broadcast %add3A_31 : f32 to vector<8x2048xf32>
    %select_n3A_33 = arith.select %lt3A, %broadcast_in_dim3A_32, %broadcast_in_dim3A_9 : vector<8x2048xi1>, vector<8x2048xf32>
    %slice3A_34 = vector.extract_strided_slice %add3A_25 {offsets = [8, 0], sizes = [8, 2048], strides = [1, 1]} : vector<512x2048xf32> to vector<8x2048xf32>
    %lt3A_35 = arith.cmpf olt, %slice3A_34, %select_n3A : vector<8x2048xf32>
    %select_n3A_36 = arith.select %lt3A_35, %slice3A_34, %select_n3A : vector<8x2048xi1>, vector<8x2048xf32>
    %add3A_37 = arith.constant 1.000000e+00 : f32
    %add3A_38 = arith.addf %convert_element_type3A_29, %add3A_37 : f32
    %broadcast_in_dim3A_39 = vector.broadcast %add3A_38 : f32 to vector<8x2048xf32>
    %select_n3A_40 = arith.select %lt3A_35, %broadcast_in_dim3A_39, %select_n3A_33 : vector<8x2048xi1>, vector<8x2048xf32>
    %slice3A_41 = vector.extract_strided_slice %add3A_25 {offsets = [16, 0], sizes = [8, 2048], strides = [1, 1]} : vector<512x2048xf32> to vector<8x2048xf32>
    %lt3A_42 = arith.cmpf olt, %slice3A_41, %select_n3A_36 : vector<8x2048xf32>
    %select_n3A_43 = arith.select %lt3A_42, %slice3A_41, %select_n3A_36 : vector<8x2048xi1>, vector<8x2048xf32>
    %add3A_44 = arith.constant 2.000000e+00 : f32
    %add3A_45 = arith.addf %convert_element_type3A_29, %add3A_44 : f32
    %broadcast_in_dim3A_46 = vector.broadcast %add3A_45 : f32 to vector<8x2048xf32>
    %select_n3A_47 = arith.select %lt3A_42, %broadcast_in_dim3A_46, %select_n3A_40 : vector<8x2048xi1>, vector<8x2048xf32>
    %slice3A_48 = vector.extract_strided_slice %add3A_25 {offsets = [24, 0], sizes = [8, 2048], strides = [1, 1]} : vector<512x2048xf32> to vector<8x2048xf32>
    %lt3A_49 = arith.cmpf olt, %slice3A_48, %select_n3A_43 : vector<8x2048xf32>
    %select_n3A_50 = arith.select %lt3A_49, %slice3A_48, %select_n3A_43 : vector<8x2048xi1>, vector<8x2048xf32>
    %add3A_51 = arith.constant 3.000000e+00 : f32
    %add3A_52 = arith.addf %convert_element_type3A_29, %add3A_51 : f32
    %broadcast_in_dim3A_53 = vector.broadcast %add3A_52 : f32 to vector<8x2048xf32>
    %select_n3A_54 = arith.select %lt3A_49, %broadcast_in_dim3A_53, %select_n3A_47 : vector<8x2048xi1>, vector<8x2048xf32>
    %slice3A_55 = vector.extract_strided_slice %add3A_25 {offsets = [32, 0], sizes = [8, 2048], strides = [1, 1]} : vector<512x2048xf32> to vector<8x2048xf32>
    %lt3A_56 = arith.cmpf olt, %slice3A_55, %select_n3A_50 : vector<8x2048xf32>
    %select_n3A_57 = arith.select %lt3A_56, %slice3A_55, %select_n3A_50 : vector<8x2048xi1>, vector<8x2048xf32>
    %add3A_58 = arith.constant 4.000000e+00 : f32
    %add3A_59 = arith.addf %convert_element_type3A_29, %add3A_58 : f32
    %broadcast_in_dim3A_60 = vector.broadcast %add3A_59 : f32 to vector<8x2048xf32>
    %select_n3A_61 = arith.select %lt3A_56, %broadcast_in_dim3A_60, %select_n3A_54 : vector<8x2048xi1>, vector<8x2048xf32>
    %slice3A_62 = vector.extract_strided_slice %add3A_25 {offsets = [40, 0], sizes = [8, 2048], strides = [1, 1]} : vector<512x2048xf32> to vector<8x2048xf32>
    %lt3A_63 = arith.cmpf olt, %slice3A_62, %select_n3A_57 : vector<8x2048xf32>
    %select_n3A_64 = arith.select %lt3A_63, %slice3A_62, %select_n3A_57 : vector<8x2048xi1>, vector<8x2048xf32>
    %add3A_65 = arith.constant 5.000000e+00 : f32
    %add3A_66 = arith.addf %convert_element_type3A_29, %add3A_65 : f32
    %broadcast_in_dim3A_67 = vector.broadcast %add3A_66 : f32 to vector<8x2048xf32>
    %select_n3A_68 = arith.select %lt3A_63, %broadcast_in_dim3A_67, %select_n3A_61 : vector<8x2048xi1>, vector<8x2048xf32>
    %slice3A_69 = vector.extract_strided_slice %add3A_25 {offsets = [48, 0], sizes = [8, 2048], strides = [1, 1]} : vector<512x2048xf32> to vector<8x2048xf32>
    %lt3A_70 = arith.cmpf olt, %slice3A_69, %select_n3A_64 : vector<8x2048xf32>
    %select_n3A_71 = arith.select %lt3A_70, %slice3A_69, %select_n3A_64 : vector<8x2048xi1>, vector<8x2048xf32>
    %add3A_72 = arith.constant 6.000000e+00 : f32
    %add3A_73 = arith.addf %convert_element_type3A_29, %add3A_72 : f32
    %broadcast_in_dim3A_74 = vector.broadcast %add3A_73 : f32 to vector<8x2048xf32>
    %select_n3A_75 = arith.select %lt3A_70, %broadcast_in_dim3A_74, %select_n3A_68 : vector<8x2048xi1>, vector<8x2048xf32>
    %slice3A_76 = vector.extract_strided_slice %add3A_25 {offsets = [56, 0], sizes = [8, 2048], strides = [1, 1]} : vector<512x2048xf32> to vector<8x2048xf32>
    %lt3A_77 = arith.cmpf olt, %slice3A_76, %select_n3A_71 : vector<8x2048xf32>
    %select_n3A_78 = arith.select %lt3A_77, %slice3A_76, %select_n3A_71 : vector<8x2048xi1>, vector<8x2048xf32>
    %add3A_79 = arith.constant 7.000000e+00 : f32
    %add3A_80 = arith.addf %convert_element_type3A_29, %add3A_79 : f32
    %broadcast_in_dim3A_81 = vector.broadcast %add3A_80 : f32 to vector<8x2048xf32>
    %select_n3A_82 = arith.select %lt3A_77, %broadcast_in_dim3A_81, %select_n3A_75 : vector<8x2048xi1>, vector<8x2048xf32>
    %slice3A_83 = vector.extract_strided_slice %add3A_25 {offsets = [64, 0], sizes = [8, 2048], strides = [1, 1]} : vector<512x2048xf32> to vector<8x2048xf32>
    %lt3A_84 = arith.cmpf olt, %slice3A_83, %select_n3A_78 : vector<8x2048xf32>
    %select_n3A_85 = arith.select %lt3A_84, %slice3A_83, %select_n3A_78 : vector<8x2048xi1>, vector<8x2048xf32>
    %add3A_86 = arith.constant 8.000000e+00 : f32
    %add3A_87 = arith.addf %convert_element_type3A_29, %add3A_86 : f32
    %broadcast_in_dim3A_88 = vector.broadcast %add3A_87 : f32 to vector<8x2048xf32>
    %select_n3A_89 = arith.select %lt3A_84, %broadcast_in_dim3A_88, %select_n3A_82 : vector<8x2048xi1>, vector<8x2048xf32>
    %slice3A_90 = vector.extract_strided_slice %add3A_25 {offsets = [72, 0], sizes = [8, 2048], strides = [1, 1]} : vector<512x2048xf32> to vector<8x2048xf32>
    %lt3A_91 = arith.cmpf olt, %slice3A_90, %select_n3A_85 : vector<8x2048xf32>
    %select_n3A_92 = arith.select %lt3A_91, %slice3A_90, %select_n3A_85 : vector<8x2048xi1>, vector<8x2048xf32>
    %add3A_93 = arith.constant 9.000000e+00 : f32
    %add3A_94 = arith.addf %convert_element_type3A_29, %add3A_93 : f32
    %broadcast_in_dim3A_95 = vector.broadcast %add3A_94 : f32 to vector<8x2048xf32>
    %select_n3A_96 = arith.select %lt3A_91, %broadcast_in_dim3A_95, %select_n3A_89 : vector<8x2048xi1>, vector<8x2048xf32>
    %slice3A_97 = vector.extract_strided_slice %add3A_25 {offsets = [80, 0], sizes = [8, 2048], strides = [1, 1]} : vector<512x2048xf32> to vector<8x2048xf32>
    %lt3A_98 = arith.cmpf olt, %slice3A_97, %select_n3A_92 : vector<8x2048xf32>
    %select_n3A_99 = arith.select %lt3A_98, %slice3A_97, %select_n3A_92 : vector<8x2048xi1>, vector<8x2048xf32>
    %add3A_100 = arith.constant 1.000000e+01 : f32
    %add3A_101 = arith.addf %convert_element_type3A_29, %add3A_100 : f32
    %broadcast_in_dim3A_102 = vector.broadcast %add3A_101 : f32 to vector<8x2048xf32>
    %select_n3A_103 = arith.select %lt3A_98, %broadcast_in_dim3A_102, %select_n3A_96 : vector<8x2048xi1>, vector<8x2048xf32>
    %slice3A_104 = vector.extract_strided_slice %add3A_25 {offsets = [88, 0], sizes = [8, 2048], strides = [1, 1]} : vector<512x2048xf32> to vector<8x2048xf32>
    %lt3A_105 = arith.cmpf olt, %slice3A_104, %select_n3A_99 : vector<8x2048xf32>
    %select_n3A_106 = arith.select %lt3A_105, %slice3A_104, %select_n3A_99 : vector<8x2048xi1>, vector<8x2048xf32>
    %add3A_107 = arith.constant 1.100000e+01 : f32
    %add3A_108 = arith.addf %convert_element_type3A_29, %add3A_107 : f32
    %broadcast_in_dim3A_109 = vector.broadcast %add3A_108 : f32 to vector<8x2048xf32>
    %select_n3A_110 = arith.select %lt3A_105, %broadcast_in_dim3A_109, %select_n3A_103 : vector<8x2048xi1>, vector<8x2048xf32>
    %slice3A_111 = vector.extract_strided_slice %add3A_25 {offsets = [96, 0], sizes = [8, 2048], strides = [1, 1]} : vector<512x2048xf32> to vector<8x2048xf32>
    %lt3A_112 = arith.cmpf olt, %slice3A_111, %select_n3A_106 : vector<8x2048xf32>
    %select_n3A_113 = arith.select %lt3A_112, %slice3A_111, %select_n3A_106 : vector<8x2048xi1>, vector<8x2048xf32>
    %add3A_114 = arith.constant 1.200000e+01 : f32
    %add3A_115 = arith.addf %convert_element_type3A_29, %add3A_114 : f32
    %broadcast_in_dim3A_116 = vector.broadcast %add3A_115 : f32 to vector<8x2048xf32>
    %select_n3A_117 = arith.select %lt3A_112, %broadcast_in_dim3A_116, %select_n3A_110 : vector<8x2048xi1>, vector<8x2048xf32>
    %slice3A_118 = vector.extract_strided_slice %add3A_25 {offsets = [104, 0], sizes = [8, 2048], strides = [1, 1]} : vector<512x2048xf32> to vector<8x2048xf32>
    %lt3A_119 = arith.cmpf olt, %slice3A_118, %select_n3A_113 : vector<8x2048xf32>
    %select_n3A_120 = arith.select %lt3A_119, %slice3A_118, %select_n3A_113 : vector<8x2048xi1>, vector<8x2048xf32>
    %add3A_121 = arith.constant 1.300000e+01 : f32
    %add3A_122 = arith.addf %convert_element_type3A_29, %add3A_121 : f32
    %broadcast_in_dim3A_123 = vector.broadcast %add3A_122 : f32 to vector<8x2048xf32>
    %select_n3A_124 = arith.select %lt3A_119, %broadcast_in_dim3A_123, %select_n3A_117 : vector<8x2048xi1>, vector<8x2048xf32>
    %slice3A_125 = vector.extract_strided_slice %add3A_25 {offsets = [112, 0], sizes = [8, 2048], strides = [1, 1]} : vector<512x2048xf32> to vector<8x2048xf32>
    %lt3A_126 = arith.cmpf olt, %slice3A_125, %select_n3A_120 : vector<8x2048xf32>
    %select_n3A_127 = arith.select %lt3A_126, %slice3A_125, %select_n3A_120 : vector<8x2048xi1>, vector<8x2048xf32>
    %add3A_128 = arith.constant 1.400000e+01 : f32
    %add3A_129 = arith.addf %convert_element_type3A_29, %add3A_128 : f32
    %broadcast_in_dim3A_130 = vector.broadcast %add3A_129 : f32 to vector<8x2048xf32>
    %select_n3A_131 = arith.select %lt3A_126, %broadcast_in_dim3A_130, %select_n3A_124 : vector<8x2048xi1>, vector<8x2048xf32>
    %slice3A_132 = vector.extract_strided_slice %add3A_25 {offsets = [120, 0], sizes = [8, 2048], strides = [1, 1]} : vector<512x2048xf32> to vector<8x2048xf32>
    %lt3A_133 = arith.cmpf olt, %slice3A_132, %select_n3A_127 : vector<8x2048xf32>
    %select_n3A_134 = arith.select %lt3A_133, %slice3A_132, %select_n3A_127 : vector<8x2048xi1>, vector<8x2048xf32>
    %add3A_135 = arith.constant 1.500000e+01 : f32
    %add3A_136 = arith.addf %convert_element_type3A_29, %add3A_135 : f32
    %broadcast_in_dim3A_137 = vector.broadcast %add3A_136 : f32 to vector<8x2048xf32>
    %select_n3A_138 = arith.select %lt3A_133, %broadcast_in_dim3A_137, %select_n3A_131 : vector<8x2048xi1>, vector<8x2048xf32>
    %slice3A_139 = vector.extract_strided_slice %add3A_25 {offsets = [128, 0], sizes = [8, 2048], strides = [1, 1]} : vector<512x2048xf32> to vector<8x2048xf32>
    %lt3A_140 = arith.cmpf olt, %slice3A_139, %select_n3A_134 : vector<8x2048xf32>
    %select_n3A_141 = arith.select %lt3A_140, %slice3A_139, %select_n3A_134 : vector<8x2048xi1>, vector<8x2048xf32>
    %add3A_142 = arith.constant 1.600000e+01 : f32
    %add3A_143 = arith.addf %convert_element_type3A_29, %add3A_142 : f32
    %broadcast_in_dim3A_144 = vector.broadcast %add3A_143 : f32 to vector<8x2048xf32>
    %select_n3A_145 = arith.select %lt3A_140, %broadcast_in_dim3A_144, %select_n3A_138 : vector<8x2048xi1>, vector<8x2048xf32>
    %slice3A_146 = vector.extract_strided_slice %add3A_25 {offsets = [136, 0], sizes = [8, 2048], strides = [1, 1]} : vector<512x2048xf32> to vector<8x2048xf32>
    %lt3A_147 = arith.cmpf olt, %slice3A_146, %select_n3A_141 : vector<8x2048xf32>
    %select_n3A_148 = arith.select %lt3A_147, %slice3A_146, %select_n3A_141 : vector<8x2048xi1>, vector<8x2048xf32>
    %add3A_149 = arith.constant 1.700000e+01 : f32
    %add3A_150 = arith.addf %convert_element_type3A_29, %add3A_149 : f32
    %broadcast_in_dim3A_151 = vector.broadcast %add3A_150 : f32 to vector<8x2048xf32>
    %select_n3A_152 = arith.select %lt3A_147, %broadcast_in_dim3A_151, %select_n3A_145 : vector<8x2048xi1>, vector<8x2048xf32>
    %slice3A_153 = vector.extract_strided_slice %add3A_25 {offsets = [144, 0], sizes = [8, 2048], strides = [1, 1]} : vector<512x2048xf32> to vector<8x2048xf32>
    %lt3A_154 = arith.cmpf olt, %slice3A_153, %select_n3A_148 : vector<8x2048xf32>
    %select_n3A_155 = arith.select %lt3A_154, %slice3A_153, %select_n3A_148 : vector<8x2048xi1>, vector<8x2048xf32>
    %add3A_156 = arith.constant 1.800000e+01 : f32
    %add3A_157 = arith.addf %convert_element_type3A_29, %add3A_156 : f32
    %broadcast_in_dim3A_158 = vector.broadcast %add3A_157 : f32 to vector<8x2048xf32>
    %select_n3A_159 = arith.select %lt3A_154, %broadcast_in_dim3A_158, %select_n3A_152 : vector<8x2048xi1>, vector<8x2048xf32>
    %slice3A_160 = vector.extract_strided_slice %add3A_25 {offsets = [152, 0], sizes = [8, 2048], strides = [1, 1]} : vector<512x2048xf32> to vector<8x2048xf32>
    %lt3A_161 = arith.cmpf olt, %slice3A_160, %select_n3A_155 : vector<8x2048xf32>
    %select_n3A_162 = arith.select %lt3A_161, %slice3A_160, %select_n3A_155 : vector<8x2048xi1>, vector<8x2048xf32>
    %add3A_163 = arith.constant 1.900000e+01 : f32
    %add3A_164 = arith.addf %convert_element_type3A_29, %add3A_163 : f32
    %broadcast_in_dim3A_165 = vector.broadcast %add3A_164 : f32 to vector<8x2048xf32>
    %select_n3A_166 = arith.select %lt3A_161, %broadcast_in_dim3A_165, %select_n3A_159 : vector<8x2048xi1>, vector<8x2048xf32>
    %slice3A_167 = vector.extract_strided_slice %add3A_25 {offsets = [160, 0], sizes = [8, 2048], strides = [1, 1]} : vector<512x2048xf32> to vector<8x2048xf32>
    %lt3A_168 = arith.cmpf olt, %slice3A_167, %select_n3A_162 : vector<8x2048xf32>
    %select_n3A_169 = arith.select %lt3A_168, %slice3A_167, %select_n3A_162 : vector<8x2048xi1>, vector<8x2048xf32>
    %add3A_170 = arith.constant 2.000000e+01 : f32
    %add3A_171 = arith.addf %convert_element_type3A_29, %add3A_170 : f32
    %broadcast_in_dim3A_172 = vector.broadcast %add3A_171 : f32 to vector<8x2048xf32>
    %select_n3A_173 = arith.select %lt3A_168, %broadcast_in_dim3A_172, %select_n3A_166 : vector<8x2048xi1>, vector<8x2048xf32>
    %slice3A_174 = vector.extract_strided_slice %add3A_25 {offsets = [168, 0], sizes = [8, 2048], strides = [1, 1]} : vector<512x2048xf32> to vector<8x2048xf32>
    %lt3A_175 = arith.cmpf olt, %slice3A_174, %select_n3A_169 : vector<8x2048xf32>
    %select_n3A_176 = arith.select %lt3A_175, %slice3A_174, %select_n3A_169 : vector<8x2048xi1>, vector<8x2048xf32>
    %add3A_177 = arith.constant 2.100000e+01 : f32
    %add3A_178 = arith.addf %convert_element_type3A_29, %add3A_177 : f32
    %broadcast_in_dim3A_179 = vector.broadcast %add3A_178 : f32 to vector<8x2048xf32>
    %select_n3A_180 = arith.select %lt3A_175, %broadcast_in_dim3A_179, %select_n3A_173 : vector<8x2048xi1>, vector<8x2048xf32>
    %slice3A_181 = vector.extract_strided_slice %add3A_25 {offsets = [176, 0], sizes = [8, 2048], strides = [1, 1]} : vector<512x2048xf32> to vector<8x2048xf32>
    %lt3A_182 = arith.cmpf olt, %slice3A_181, %select_n3A_176 : vector<8x2048xf32>
    %select_n3A_183 = arith.select %lt3A_182, %slice3A_181, %select_n3A_176 : vector<8x2048xi1>, vector<8x2048xf32>
    %add3A_184 = arith.constant 2.200000e+01 : f32
    %add3A_185 = arith.addf %convert_element_type3A_29, %add3A_184 : f32
    %broadcast_in_dim3A_186 = vector.broadcast %add3A_185 : f32 to vector<8x2048xf32>
    %select_n3A_187 = arith.select %lt3A_182, %broadcast_in_dim3A_186, %select_n3A_180 : vector<8x2048xi1>, vector<8x2048xf32>
    %slice3A_188 = vector.extract_strided_slice %add3A_25 {offsets = [184, 0], sizes = [8, 2048], strides = [1, 1]} : vector<512x2048xf32> to vector<8x2048xf32>
    %lt3A_189 = arith.cmpf olt, %slice3A_188, %select_n3A_183 : vector<8x2048xf32>
    %select_n3A_190 = arith.select %lt3A_189, %slice3A_188, %select_n3A_183 : vector<8x2048xi1>, vector<8x2048xf32>
    %add3A_191 = arith.constant 2.300000e+01 : f32
    %add3A_192 = arith.addf %convert_element_type3A_29, %add3A_191 : f32
    %broadcast_in_dim3A_193 = vector.broadcast %add3A_192 : f32 to vector<8x2048xf32>
    %select_n3A_194 = arith.select %lt3A_189, %broadcast_in_dim3A_193, %select_n3A_187 : vector<8x2048xi1>, vector<8x2048xf32>
    %slice3A_195 = vector.extract_strided_slice %add3A_25 {offsets = [192, 0], sizes = [8, 2048], strides = [1, 1]} : vector<512x2048xf32> to vector<8x2048xf32>
    %lt3A_196 = arith.cmpf olt, %slice3A_195, %select_n3A_190 : vector<8x2048xf32>
    %select_n3A_197 = arith.select %lt3A_196, %slice3A_195, %select_n3A_190 : vector<8x2048xi1>, vector<8x2048xf32>
    %add3A_198 = arith.constant 2.400000e+01 : f32
    %add3A_199 = arith.addf %convert_element_type3A_29, %add3A_198 : f32
    %broadcast_in_dim3A_200 = vector.broadcast %add3A_199 : f32 to vector<8x2048xf32>
    %select_n3A_201 = arith.select %lt3A_196, %broadcast_in_dim3A_200, %select_n3A_194 : vector<8x2048xi1>, vector<8x2048xf32>
    %slice3A_202 = vector.extract_strided_slice %add3A_25 {offsets = [200, 0], sizes = [8, 2048], strides = [1, 1]} : vector<512x2048xf32> to vector<8x2048xf32>
    %lt3A_203 = arith.cmpf olt, %slice3A_202, %select_n3A_197 : vector<8x2048xf32>
    %select_n3A_204 = arith.select %lt3A_203, %slice3A_202, %select_n3A_197 : vector<8x2048xi1>, vector<8x2048xf32>
    %add3A_205 = arith.constant 2.500000e+01 : f32
    %add3A_206 = arith.addf %convert_element_type3A_29, %add3A_205 : f32
    %broadcast_in_dim3A_207 = vector.broadcast %add3A_206 : f32 to vector<8x2048xf32>
    %select_n3A_208 = arith.select %lt3A_203, %broadcast_in_dim3A_207, %select_n3A_201 : vector<8x2048xi1>, vector<8x2048xf32>
    %slice3A_209 = vector.extract_strided_slice %add3A_25 {offsets = [208, 0], sizes = [8, 2048], strides = [1, 1]} : vector<512x2048xf32> to vector<8x2048xf32>
    %lt3A_210 = arith.cmpf olt, %slice3A_209, %select_n3A_204 : vector<8x2048xf32>
    %select_n3A_211 = arith.select %lt3A_210, %slice3A_209, %select_n3A_204 : vector<8x2048xi1>, vector<8x2048xf32>
    %add3A_212 = arith.constant 2.600000e+01 : f32
    %add3A_213 = arith.addf %convert_element_type3A_29, %add3A_212 : f32
    %broadcast_in_dim3A_214 = vector.broadcast %add3A_213 : f32 to vector<8x2048xf32>
    %select_n3A_215 = arith.select %lt3A_210, %broadcast_in_dim3A_214, %select_n3A_208 : vector<8x2048xi1>, vector<8x2048xf32>
    %slice3A_216 = vector.extract_strided_slice %add3A_25 {offsets = [216, 0], sizes = [8, 2048], strides = [1, 1]} : vector<512x2048xf32> to vector<8x2048xf32>
    %lt3A_217 = arith.cmpf olt, %slice3A_216, %select_n3A_211 : vector<8x2048xf32>
    %select_n3A_218 = arith.select %lt3A_217, %slice3A_216, %select_n3A_211 : vector<8x2048xi1>, vector<8x2048xf32>
    %add3A_219 = arith.constant 2.700000e+01 : f32
    %add3A_220 = arith.addf %convert_element_type3A_29, %add3A_219 : f32
    %broadcast_in_dim3A_221 = vector.broadcast %add3A_220 : f32 to vector<8x2048xf32>
    %select_n3A_222 = arith.select %lt3A_217, %broadcast_in_dim3A_221, %select_n3A_215 : vector<8x2048xi1>, vector<8x2048xf32>
    %slice3A_223 = vector.extract_strided_slice %add3A_25 {offsets = [224, 0], sizes = [8, 2048], strides = [1, 1]} : vector<512x2048xf32> to vector<8x2048xf32>
    %lt3A_224 = arith.cmpf olt, %slice3A_223, %select_n3A_218 : vector<8x2048xf32>
    %select_n3A_225 = arith.select %lt3A_224, %slice3A_223, %select_n3A_218 : vector<8x2048xi1>, vector<8x2048xf32>
    %add3A_226 = arith.constant 2.800000e+01 : f32
    %add3A_227 = arith.addf %convert_element_type3A_29, %add3A_226 : f32
    %broadcast_in_dim3A_228 = vector.broadcast %add3A_227 : f32 to vector<8x2048xf32>
    %select_n3A_229 = arith.select %lt3A_224, %broadcast_in_dim3A_228, %select_n3A_222 : vector<8x2048xi1>, vector<8x2048xf32>
    %slice3A_230 = vector.extract_strided_slice %add3A_25 {offsets = [232, 0], sizes = [8, 2048], strides = [1, 1]} : vector<512x2048xf32> to vector<8x2048xf32>
    %lt3A_231 = arith.cmpf olt, %slice3A_230, %select_n3A_225 : vector<8x2048xf32>
    %select_n3A_232 = arith.select %lt3A_231, %slice3A_230, %select_n3A_225 : vector<8x2048xi1>, vector<8x2048xf32>
    %add3A_233 = arith.constant 2.900000e+01 : f32
    %add3A_234 = arith.addf %convert_element_type3A_29, %add3A_233 : f32
    %broadcast_in_dim3A_235 = vector.broadcast %add3A_234 : f32 to vector<8x2048xf32>
    %select_n3A_236 = arith.select %lt3A_231, %broadcast_in_dim3A_235, %select_n3A_229 : vector<8x2048xi1>, vector<8x2048xf32>
    %slice3A_237 = vector.extract_strided_slice %add3A_25 {offsets = [240, 0], sizes = [8, 2048], strides = [1, 1]} : vector<512x2048xf32> to vector<8x2048xf32>
    %lt3A_238 = arith.cmpf olt, %slice3A_237, %select_n3A_232 : vector<8x2048xf32>
    %select_n3A_239 = arith.select %lt3A_238, %slice3A_237, %select_n3A_232 : vector<8x2048xi1>, vector<8x2048xf32>
    %add3A_240 = arith.constant 3.000000e+01 : f32
    %add3A_241 = arith.addf %convert_element_type3A_29, %add3A_240 : f32
    %broadcast_in_dim3A_242 = vector.broadcast %add3A_241 : f32 to vector<8x2048xf32>
    %select_n3A_243 = arith.select %lt3A_238, %broadcast_in_dim3A_242, %select_n3A_236 : vector<8x2048xi1>, vector<8x2048xf32>
    %slice3A_244 = vector.extract_strided_slice %add3A_25 {offsets = [248, 0], sizes = [8, 2048], strides = [1, 1]} : vector<512x2048xf32> to vector<8x2048xf32>
    %lt3A_245 = arith.cmpf olt, %slice3A_244, %select_n3A_239 : vector<8x2048xf32>
    %select_n3A_246 = arith.select %lt3A_245, %slice3A_244, %select_n3A_239 : vector<8x2048xi1>, vector<8x2048xf32>
    %add3A_247 = arith.constant 3.100000e+01 : f32
    %add3A_248 = arith.addf %convert_element_type3A_29, %add3A_247 : f32
    %broadcast_in_dim3A_249 = vector.broadcast %add3A_248 : f32 to vector<8x2048xf32>
    %select_n3A_250 = arith.select %lt3A_245, %broadcast_in_dim3A_249, %select_n3A_243 : vector<8x2048xi1>, vector<8x2048xf32>
    %slice3A_251 = vector.extract_strided_slice %add3A_25 {offsets = [256, 0], sizes = [8, 2048], strides = [1, 1]} : vector<512x2048xf32> to vector<8x2048xf32>
    %lt3A_252 = arith.cmpf olt, %slice3A_251, %select_n3A_246 : vector<8x2048xf32>
    %select_n3A_253 = arith.select %lt3A_252, %slice3A_251, %select_n3A_246 : vector<8x2048xi1>, vector<8x2048xf32>
    %add3A_254 = arith.constant 3.200000e+01 : f32
    %add3A_255 = arith.addf %convert_element_type3A_29, %add3A_254 : f32
    %broadcast_in_dim3A_256 = vector.broadcast %add3A_255 : f32 to vector<8x2048xf32>
    %select_n3A_257 = arith.select %lt3A_252, %broadcast_in_dim3A_256, %select_n3A_250 : vector<8x2048xi1>, vector<8x2048xf32>
    %slice3A_258 = vector.extract_strided_slice %add3A_25 {offsets = [264, 0], sizes = [8, 2048], strides = [1, 1]} : vector<512x2048xf32> to vector<8x2048xf32>
    %lt3A_259 = arith.cmpf olt, %slice3A_258, %select_n3A_253 : vector<8x2048xf32>
    %select_n3A_260 = arith.select %lt3A_259, %slice3A_258, %select_n3A_253 : vector<8x2048xi1>, vector<8x2048xf32>
    %add3A_261 = arith.constant 3.300000e+01 : f32
    %add3A_262 = arith.addf %convert_element_type3A_29, %add3A_261 : f32
    %broadcast_in_dim3A_263 = vector.broadcast %add3A_262 : f32 to vector<8x2048xf32>
    %select_n3A_264 = arith.select %lt3A_259, %broadcast_in_dim3A_263, %select_n3A_257 : vector<8x2048xi1>, vector<8x2048xf32>
    %slice3A_265 = vector.extract_strided_slice %add3A_25 {offsets = [272, 0], sizes = [8, 2048], strides = [1, 1]} : vector<512x2048xf32> to vector<8x2048xf32>
    %lt3A_266 = arith.cmpf olt, %slice3A_265, %select_n3A_260 : vector<8x2048xf32>
    %select_n3A_267 = arith.select %lt3A_266, %slice3A_265, %select_n3A_260 : vector<8x2048xi1>, vector<8x2048xf32>
    %add3A_268 = arith.constant 3.400000e+01 : f32
    %add3A_269 = arith.addf %convert_element_type3A_29, %add3A_268 : f32
    %broadcast_in_dim3A_270 = vector.broadcast %add3A_269 : f32 to vector<8x2048xf32>
    %select_n3A_271 = arith.select %lt3A_266, %broadcast_in_dim3A_270, %select_n3A_264 : vector<8x2048xi1>, vector<8x2048xf32>
    %slice3A_272 = vector.extract_strided_slice %add3A_25 {offsets = [280, 0], sizes = [8, 2048], strides = [1, 1]} : vector<512x2048xf32> to vector<8x2048xf32>
    %lt3A_273 = arith.cmpf olt, %slice3A_272, %select_n3A_267 : vector<8x2048xf32>
    %select_n3A_274 = arith.select %lt3A_273, %slice3A_272, %select_n3A_267 : vector<8x2048xi1>, vector<8x2048xf32>
    %add3A_275 = arith.constant 3.500000e+01 : f32
    %add3A_276 = arith.addf %convert_element_type3A_29, %add3A_275 : f32
    %broadcast_in_dim3A_277 = vector.broadcast %add3A_276 : f32 to vector<8x2048xf32>
    %select_n3A_278 = arith.select %lt3A_273, %broadcast_in_dim3A_277, %select_n3A_271 : vector<8x2048xi1>, vector<8x2048xf32>
    %slice3A_279 = vector.extract_strided_slice %add3A_25 {offsets = [288, 0], sizes = [8, 2048], strides = [1, 1]} : vector<512x2048xf32> to vector<8x2048xf32>
    %lt3A_280 = arith.cmpf olt, %slice3A_279, %select_n3A_274 : vector<8x2048xf32>
    %select_n3A_281 = arith.select %lt3A_280, %slice3A_279, %select_n3A_274 : vector<8x2048xi1>, vector<8x2048xf32>
    %add3A_282 = arith.constant 3.600000e+01 : f32
    %add3A_283 = arith.addf %convert_element_type3A_29, %add3A_282 : f32
    %broadcast_in_dim3A_284 = vector.broadcast %add3A_283 : f32 to vector<8x2048xf32>
    %select_n3A_285 = arith.select %lt3A_280, %broadcast_in_dim3A_284, %select_n3A_278 : vector<8x2048xi1>, vector<8x2048xf32>
    %slice3A_286 = vector.extract_strided_slice %add3A_25 {offsets = [296, 0], sizes = [8, 2048], strides = [1, 1]} : vector<512x2048xf32> to vector<8x2048xf32>
    %lt3A_287 = arith.cmpf olt, %slice3A_286, %select_n3A_281 : vector<8x2048xf32>
    %select_n3A_288 = arith.select %lt3A_287, %slice3A_286, %select_n3A_281 : vector<8x2048xi1>, vector<8x2048xf32>
    %add3A_289 = arith.constant 3.700000e+01 : f32
    %add3A_290 = arith.addf %convert_element_type3A_29, %add3A_289 : f32
    %broadcast_in_dim3A_291 = vector.broadcast %add3A_290 : f32 to vector<8x2048xf32>
    %select_n3A_292 = arith.select %lt3A_287, %broadcast_in_dim3A_291, %select_n3A_285 : vector<8x2048xi1>, vector<8x2048xf32>
    %slice3A_293 = vector.extract_strided_slice %add3A_25 {offsets = [304, 0], sizes = [8, 2048], strides = [1, 1]} : vector<512x2048xf32> to vector<8x2048xf32>
    %lt3A_294 = arith.cmpf olt, %slice3A_293, %select_n3A_288 : vector<8x2048xf32>
    %select_n3A_295 = arith.select %lt3A_294, %slice3A_293, %select_n3A_288 : vector<8x2048xi1>, vector<8x2048xf32>
    %add3A_296 = arith.constant 3.800000e+01 : f32
    %add3A_297 = arith.addf %convert_element_type3A_29, %add3A_296 : f32
    %broadcast_in_dim3A_298 = vector.broadcast %add3A_297 : f32 to vector<8x2048xf32>
    %select_n3A_299 = arith.select %lt3A_294, %broadcast_in_dim3A_298, %select_n3A_292 : vector<8x2048xi1>, vector<8x2048xf32>
    %slice3A_300 = vector.extract_strided_slice %add3A_25 {offsets = [312, 0], sizes = [8, 2048], strides = [1, 1]} : vector<512x2048xf32> to vector<8x2048xf32>
    %lt3A_301 = arith.cmpf olt, %slice3A_300, %select_n3A_295 : vector<8x2048xf32>
    %select_n3A_302 = arith.select %lt3A_301, %slice3A_300, %select_n3A_295 : vector<8x2048xi1>, vector<8x2048xf32>
    %add3A_303 = arith.constant 3.900000e+01 : f32
    %add3A_304 = arith.addf %convert_element_type3A_29, %add3A_303 : f32
    %broadcast_in_dim3A_305 = vector.broadcast %add3A_304 : f32 to vector<8x2048xf32>
    %select_n3A_306 = arith.select %lt3A_301, %broadcast_in_dim3A_305, %select_n3A_299 : vector<8x2048xi1>, vector<8x2048xf32>
    %slice3A_307 = vector.extract_strided_slice %add3A_25 {offsets = [320, 0], sizes = [8, 2048], strides = [1, 1]} : vector<512x2048xf32> to vector<8x2048xf32>
    %lt3A_308 = arith.cmpf olt, %slice3A_307, %select_n3A_302 : vector<8x2048xf32>
    %select_n3A_309 = arith.select %lt3A_308, %slice3A_307, %select_n3A_302 : vector<8x2048xi1>, vector<8x2048xf32>
    %add3A_310 = arith.constant 4.000000e+01 : f32
    %add3A_311 = arith.addf %convert_element_type3A_29, %add3A_310 : f32
    %broadcast_in_dim3A_312 = vector.broadcast %add3A_311 : f32 to vector<8x2048xf32>
    %select_n3A_313 = arith.select %lt3A_308, %broadcast_in_dim3A_312, %select_n3A_306 : vector<8x2048xi1>, vector<8x2048xf32>
    %slice3A_314 = vector.extract_strided_slice %add3A_25 {offsets = [328, 0], sizes = [8, 2048], strides = [1, 1]} : vector<512x2048xf32> to vector<8x2048xf32>
    %lt3A_315 = arith.cmpf olt, %slice3A_314, %select_n3A_309 : vector<8x2048xf32>
    %select_n3A_316 = arith.select %lt3A_315, %slice3A_314, %select_n3A_309 : vector<8x2048xi1>, vector<8x2048xf32>
    %add3A_317 = arith.constant 4.100000e+01 : f32
    %add3A_318 = arith.addf %convert_element_type3A_29, %add3A_317 : f32
    %broadcast_in_dim3A_319 = vector.broadcast %add3A_318 : f32 to vector<8x2048xf32>
    %select_n3A_320 = arith.select %lt3A_315, %broadcast_in_dim3A_319, %select_n3A_313 : vector<8x2048xi1>, vector<8x2048xf32>
    %slice3A_321 = vector.extract_strided_slice %add3A_25 {offsets = [336, 0], sizes = [8, 2048], strides = [1, 1]} : vector<512x2048xf32> to vector<8x2048xf32>
    %lt3A_322 = arith.cmpf olt, %slice3A_321, %select_n3A_316 : vector<8x2048xf32>
    %select_n3A_323 = arith.select %lt3A_322, %slice3A_321, %select_n3A_316 : vector<8x2048xi1>, vector<8x2048xf32>
    %add3A_324 = arith.constant 4.200000e+01 : f32
    %add3A_325 = arith.addf %convert_element_type3A_29, %add3A_324 : f32
    %broadcast_in_dim3A_326 = vector.broadcast %add3A_325 : f32 to vector<8x2048xf32>
    %select_n3A_327 = arith.select %lt3A_322, %broadcast_in_dim3A_326, %select_n3A_320 : vector<8x2048xi1>, vector<8x2048xf32>
    %slice3A_328 = vector.extract_strided_slice %add3A_25 {offsets = [344, 0], sizes = [8, 2048], strides = [1, 1]} : vector<512x2048xf32> to vector<8x2048xf32>
    %lt3A_329 = arith.cmpf olt, %slice3A_328, %select_n3A_323 : vector<8x2048xf32>
    %select_n3A_330 = arith.select %lt3A_329, %slice3A_328, %select_n3A_323 : vector<8x2048xi1>, vector<8x2048xf32>
    %add3A_331 = arith.constant 4.300000e+01 : f32
    %add3A_332 = arith.addf %convert_element_type3A_29, %add3A_331 : f32
    %broadcast_in_dim3A_333 = vector.broadcast %add3A_332 : f32 to vector<8x2048xf32>
    %select_n3A_334 = arith.select %lt3A_329, %broadcast_in_dim3A_333, %select_n3A_327 : vector<8x2048xi1>, vector<8x2048xf32>
    %slice3A_335 = vector.extract_strided_slice %add3A_25 {offsets = [352, 0], sizes = [8, 2048], strides = [1, 1]} : vector<512x2048xf32> to vector<8x2048xf32>
    %lt3A_336 = arith.cmpf olt, %slice3A_335, %select_n3A_330 : vector<8x2048xf32>
    %select_n3A_337 = arith.select %lt3A_336, %slice3A_335, %select_n3A_330 : vector<8x2048xi1>, vector<8x2048xf32>
    %add3A_338 = arith.constant 4.400000e+01 : f32
    %add3A_339 = arith.addf %convert_element_type3A_29, %add3A_338 : f32
    %broadcast_in_dim3A_340 = vector.broadcast %add3A_339 : f32 to vector<8x2048xf32>
    %select_n3A_341 = arith.select %lt3A_336, %broadcast_in_dim3A_340, %select_n3A_334 : vector<8x2048xi1>, vector<8x2048xf32>
    %slice3A_342 = vector.extract_strided_slice %add3A_25 {offsets = [360, 0], sizes = [8, 2048], strides = [1, 1]} : vector<512x2048xf32> to vector<8x2048xf32>
    %lt3A_343 = arith.cmpf olt, %slice3A_342, %select_n3A_337 : vector<8x2048xf32>
    %select_n3A_344 = arith.select %lt3A_343, %slice3A_342, %select_n3A_337 : vector<8x2048xi1>, vector<8x2048xf32>
    %add3A_345 = arith.constant 4.500000e+01 : f32
    %add3A_346 = arith.addf %convert_element_type3A_29, %add3A_345 : f32
    %broadcast_in_dim3A_347 = vector.broadcast %add3A_346 : f32 to vector<8x2048xf32>
    %select_n3A_348 = arith.select %lt3A_343, %broadcast_in_dim3A_347, %select_n3A_341 : vector<8x2048xi1>, vector<8x2048xf32>
    %slice3A_349 = vector.extract_strided_slice %add3A_25 {offsets = [368, 0], sizes = [8, 2048], strides = [1, 1]} : vector<512x2048xf32> to vector<8x2048xf32>
    %lt3A_350 = arith.cmpf olt, %slice3A_349, %select_n3A_344 : vector<8x2048xf32>
    %select_n3A_351 = arith.select %lt3A_350, %slice3A_349, %select_n3A_344 : vector<8x2048xi1>, vector<8x2048xf32>
    %add3A_352 = arith.constant 4.600000e+01 : f32
    %add3A_353 = arith.addf %convert_element_type3A_29, %add3A_352 : f32
    %broadcast_in_dim3A_354 = vector.broadcast %add3A_353 : f32 to vector<8x2048xf32>
    %select_n3A_355 = arith.select %lt3A_350, %broadcast_in_dim3A_354, %select_n3A_348 : vector<8x2048xi1>, vector<8x2048xf32>
    %slice3A_356 = vector.extract_strided_slice %add3A_25 {offsets = [376, 0], sizes = [8, 2048], strides = [1, 1]} : vector<512x2048xf32> to vector<8x2048xf32>
    %lt3A_357 = arith.cmpf olt, %slice3A_356, %select_n3A_351 : vector<8x2048xf32>
    %select_n3A_358 = arith.select %lt3A_357, %slice3A_356, %select_n3A_351 : vector<8x2048xi1>, vector<8x2048xf32>
    %add3A_359 = arith.constant 4.700000e+01 : f32
    %add3A_360 = arith.addf %convert_element_type3A_29, %add3A_359 : f32
    %broadcast_in_dim3A_361 = vector.broadcast %add3A_360 : f32 to vector<8x2048xf32>
    %select_n3A_362 = arith.select %lt3A_357, %broadcast_in_dim3A_361, %select_n3A_355 : vector<8x2048xi1>, vector<8x2048xf32>
    %slice3A_363 = vector.extract_strided_slice %add3A_25 {offsets = [384, 0], sizes = [8, 2048], strides = [1, 1]} : vector<512x2048xf32> to vector<8x2048xf32>
    %lt3A_364 = arith.cmpf olt, %slice3A_363, %select_n3A_358 : vector<8x2048xf32>
    %select_n3A_365 = arith.select %lt3A_364, %slice3A_363, %select_n3A_358 : vector<8x2048xi1>, vector<8x2048xf32>
    %add3A_366 = arith.constant 4.800000e+01 : f32
    %add3A_367 = arith.addf %convert_element_type3A_29, %add3A_366 : f32
    %broadcast_in_dim3A_368 = vector.broadcast %add3A_367 : f32 to vector<8x2048xf32>
    %select_n3A_369 = arith.select %lt3A_364, %broadcast_in_dim3A_368, %select_n3A_362 : vector<8x2048xi1>, vector<8x2048xf32>
    %slice3A_370 = vector.extract_strided_slice %add3A_25 {offsets = [392, 0], sizes = [8, 2048], strides = [1, 1]} : vector<512x2048xf32> to vector<8x2048xf32>
    %lt3A_371 = arith.cmpf olt, %slice3A_370, %select_n3A_365 : vector<8x2048xf32>
    %select_n3A_372 = arith.select %lt3A_371, %slice3A_370, %select_n3A_365 : vector<8x2048xi1>, vector<8x2048xf32>
    %add3A_373 = arith.constant 4.900000e+01 : f32
    %add3A_374 = arith.addf %convert_element_type3A_29, %add3A_373 : f32
    %broadcast_in_dim3A_375 = vector.broadcast %add3A_374 : f32 to vector<8x2048xf32>
    %select_n3A_376 = arith.select %lt3A_371, %broadcast_in_dim3A_375, %select_n3A_369 : vector<8x2048xi1>, vector<8x2048xf32>
    %slice3A_377 = vector.extract_strided_slice %add3A_25 {offsets = [400, 0], sizes = [8, 2048], strides = [1, 1]} : vector<512x2048xf32> to vector<8x2048xf32>
    %lt3A_378 = arith.cmpf olt, %slice3A_377, %select_n3A_372 : vector<8x2048xf32>
    %select_n3A_379 = arith.select %lt3A_378, %slice3A_377, %select_n3A_372 : vector<8x2048xi1>, vector<8x2048xf32>
    %add3A_380 = arith.constant 5.000000e+01 : f32
    %add3A_381 = arith.addf %convert_element_type3A_29, %add3A_380 : f32
    %broadcast_in_dim3A_382 = vector.broadcast %add3A_381 : f32 to vector<8x2048xf32>
    %select_n3A_383 = arith.select %lt3A_378, %broadcast_in_dim3A_382, %select_n3A_376 : vector<8x2048xi1>, vector<8x2048xf32>
    %slice3A_384 = vector.extract_strided_slice %add3A_25 {offsets = [408, 0], sizes = [8, 2048], strides = [1, 1]} : vector<512x2048xf32> to vector<8x2048xf32>
    %lt3A_385 = arith.cmpf olt, %slice3A_384, %select_n3A_379 : vector<8x2048xf32>
    %select_n3A_386 = arith.select %lt3A_385, %slice3A_384, %select_n3A_379 : vector<8x2048xi1>, vector<8x2048xf32>
    %add3A_387 = arith.constant 5.100000e+01 : f32
    %add3A_388 = arith.addf %convert_element_type3A_29, %add3A_387 : f32
    %broadcast_in_dim3A_389 = vector.broadcast %add3A_388 : f32 to vector<8x2048xf32>
    %select_n3A_390 = arith.select %lt3A_385, %broadcast_in_dim3A_389, %select_n3A_383 : vector<8x2048xi1>, vector<8x2048xf32>
    %slice3A_391 = vector.extract_strided_slice %add3A_25 {offsets = [416, 0], sizes = [8, 2048], strides = [1, 1]} : vector<512x2048xf32> to vector<8x2048xf32>
    %lt3A_392 = arith.cmpf olt, %slice3A_391, %select_n3A_386 : vector<8x2048xf32>
    %select_n3A_393 = arith.select %lt3A_392, %slice3A_391, %select_n3A_386 : vector<8x2048xi1>, vector<8x2048xf32>
    %add3A_394 = arith.constant 5.200000e+01 : f32
    %add3A_395 = arith.addf %convert_element_type3A_29, %add3A_394 : f32
    %broadcast_in_dim3A_396 = vector.broadcast %add3A_395 : f32 to vector<8x2048xf32>
    %select_n3A_397 = arith.select %lt3A_392, %broadcast_in_dim3A_396, %select_n3A_390 : vector<8x2048xi1>, vector<8x2048xf32>
    %slice3A_398 = vector.extract_strided_slice %add3A_25 {offsets = [424, 0], sizes = [8, 2048], strides = [1, 1]} : vector<512x2048xf32> to vector<8x2048xf32>
    %lt3A_399 = arith.cmpf olt, %slice3A_398, %select_n3A_393 : vector<8x2048xf32>
    %select_n3A_400 = arith.select %lt3A_399, %slice3A_398, %select_n3A_393 : vector<8x2048xi1>, vector<8x2048xf32>
    %add3A_401 = arith.constant 5.300000e+01 : f32
    %add3A_402 = arith.addf %convert_element_type3A_29, %add3A_401 : f32
    %broadcast_in_dim3A_403 = vector.broadcast %add3A_402 : f32 to vector<8x2048xf32>
    %select_n3A_404 = arith.select %lt3A_399, %broadcast_in_dim3A_403, %select_n3A_397 : vector<8x2048xi1>, vector<8x2048xf32>
    %slice3A_405 = vector.extract_strided_slice %add3A_25 {offsets = [432, 0], sizes = [8, 2048], strides = [1, 1]} : vector<512x2048xf32> to vector<8x2048xf32>
    %lt3A_406 = arith.cmpf olt, %slice3A_405, %select_n3A_400 : vector<8x2048xf32>
    %select_n3A_407 = arith.select %lt3A_406, %slice3A_405, %select_n3A_400 : vector<8x2048xi1>, vector<8x2048xf32>
    %add3A_408 = arith.constant 5.400000e+01 : f32
    %add3A_409 = arith.addf %convert_element_type3A_29, %add3A_408 : f32
    %broadcast_in_dim3A_410 = vector.broadcast %add3A_409 : f32 to vector<8x2048xf32>
    %select_n3A_411 = arith.select %lt3A_406, %broadcast_in_dim3A_410, %select_n3A_404 : vector<8x2048xi1>, vector<8x2048xf32>
    %slice3A_412 = vector.extract_strided_slice %add3A_25 {offsets = [440, 0], sizes = [8, 2048], strides = [1, 1]} : vector<512x2048xf32> to vector<8x2048xf32>
    %lt3A_413 = arith.cmpf olt, %slice3A_412, %select_n3A_407 : vector<8x2048xf32>
    %select_n3A_414 = arith.select %lt3A_413, %slice3A_412, %select_n3A_407 : vector<8x2048xi1>, vector<8x2048xf32>
    %add3A_415 = arith.constant 5.500000e+01 : f32
    %add3A_416 = arith.addf %convert_element_type3A_29, %add3A_415 : f32
    %broadcast_in_dim3A_417 = vector.broadcast %add3A_416 : f32 to vector<8x2048xf32>
    %select_n3A_418 = arith.select %lt3A_413, %broadcast_in_dim3A_417, %select_n3A_411 : vector<8x2048xi1>, vector<8x2048xf32>
    %slice3A_419 = vector.extract_strided_slice %add3A_25 {offsets = [448, 0], sizes = [8, 2048], strides = [1, 1]} : vector<512x2048xf32> to vector<8x2048xf32>
    %lt3A_420 = arith.cmpf olt, %slice3A_419, %select_n3A_414 : vector<8x2048xf32>
    %select_n3A_421 = arith.select %lt3A_420, %slice3A_419, %select_n3A_414 : vector<8x2048xi1>, vector<8x2048xf32>
    %add3A_422 = arith.constant 5.600000e+01 : f32
    %add3A_423 = arith.addf %convert_element_type3A_29, %add3A_422 : f32
    %broadcast_in_dim3A_424 = vector.broadcast %add3A_423 : f32 to vector<8x2048xf32>
    %select_n3A_425 = arith.select %lt3A_420, %broadcast_in_dim3A_424, %select_n3A_418 : vector<8x2048xi1>, vector<8x2048xf32>
    %slice3A_426 = vector.extract_strided_slice %add3A_25 {offsets = [456, 0], sizes = [8, 2048], strides = [1, 1]} : vector<512x2048xf32> to vector<8x2048xf32>
    %lt3A_427 = arith.cmpf olt, %slice3A_426, %select_n3A_421 : vector<8x2048xf32>
    %select_n3A_428 = arith.select %lt3A_427, %slice3A_426, %select_n3A_421 : vector<8x2048xi1>, vector<8x2048xf32>
    %add3A_429 = arith.constant 5.700000e+01 : f32
    %add3A_430 = arith.addf %convert_element_type3A_29, %add3A_429 : f32
    %broadcast_in_dim3A_431 = vector.broadcast %add3A_430 : f32 to vector<8x2048xf32>
    %select_n3A_432 = arith.select %lt3A_427, %broadcast_in_dim3A_431, %select_n3A_425 : vector<8x2048xi1>, vector<8x2048xf32>
    %slice3A_433 = vector.extract_strided_slice %add3A_25 {offsets = [464, 0], sizes = [8, 2048], strides = [1, 1]} : vector<512x2048xf32> to vector<8x2048xf32>
    %lt3A_434 = arith.cmpf olt, %slice3A_433, %select_n3A_428 : vector<8x2048xf32>
    %select_n3A_435 = arith.select %lt3A_434, %slice3A_433, %select_n3A_428 : vector<8x2048xi1>, vector<8x2048xf32>
    %add3A_436 = arith.constant 5.800000e+01 : f32
    %add3A_437 = arith.addf %convert_element_type3A_29, %add3A_436 : f32
    %broadcast_in_dim3A_438 = vector.broadcast %add3A_437 : f32 to vector<8x2048xf32>
    %select_n3A_439 = arith.select %lt3A_434, %broadcast_in_dim3A_438, %select_n3A_432 : vector<8x2048xi1>, vector<8x2048xf32>
    %slice3A_440 = vector.extract_strided_slice %add3A_25 {offsets = [472, 0], sizes = [8, 2048], strides = [1, 1]} : vector<512x2048xf32> to vector<8x2048xf32>
    %lt3A_441 = arith.cmpf olt, %slice3A_440, %select_n3A_435 : vector<8x2048xf32>
    %select_n3A_442 = arith.select %lt3A_441, %slice3A_440, %select_n3A_435 : vector<8x2048xi1>, vector<8x2048xf32>
    %add3A_443 = arith.constant 5.900000e+01 : f32
    %add3A_444 = arith.addf %convert_element_type3A_29, %add3A_443 : f32
    %broadcast_in_dim3A_445 = vector.broadcast %add3A_444 : f32 to vector<8x2048xf32>
    %select_n3A_446 = arith.select %lt3A_441, %broadcast_in_dim3A_445, %select_n3A_439 : vector<8x2048xi1>, vector<8x2048xf32>
    %slice3A_447 = vector.extract_strided_slice %add3A_25 {offsets = [480, 0], sizes = [8, 2048], strides = [1, 1]} : vector<512x2048xf32> to vector<8x2048xf32>
    %lt3A_448 = arith.cmpf olt, %slice3A_447, %select_n3A_442 : vector<8x2048xf32>
    %select_n3A_449 = arith.select %lt3A_448, %slice3A_447, %select_n3A_442 : vector<8x2048xi1>, vector<8x2048xf32>
    %add3A_450 = arith.constant 6.000000e+01 : f32
    %add3A_451 = arith.addf %convert_element_type3A_29, %add3A_450 : f32
    %broadcast_in_dim3A_452 = vector.broadcast %add3A_451 : f32 to vector<8x2048xf32>
    %select_n3A_453 = arith.select %lt3A_448, %broadcast_in_dim3A_452, %select_n3A_446 : vector<8x2048xi1>, vector<8x2048xf32>
    %slice3A_454 = vector.extract_strided_slice %add3A_25 {offsets = [488, 0], sizes = [8, 2048], strides = [1, 1]} : vector<512x2048xf32> to vector<8x2048xf32>
    %lt3A_455 = arith.cmpf olt, %slice3A_454, %select_n3A_449 : vector<8x2048xf32>
    %select_n3A_456 = arith.select %lt3A_455, %slice3A_454, %select_n3A_449 : vector<8x2048xi1>, vector<8x2048xf32>
    %add3A_457 = arith.constant 6.100000e+01 : f32
    %add3A_458 = arith.addf %convert_element_type3A_29, %add3A_457 : f32
    %broadcast_in_dim3A_459 = vector.broadcast %add3A_458 : f32 to vector<8x2048xf32>
    %select_n3A_460 = arith.select %lt3A_455, %broadcast_in_dim3A_459, %select_n3A_453 : vector<8x2048xi1>, vector<8x2048xf32>
    %slice3A_461 = vector.extract_strided_slice %add3A_25 {offsets = [496, 0], sizes = [8, 2048], strides = [1, 1]} : vector<512x2048xf32> to vector<8x2048xf32>
    %lt3A_462 = arith.cmpf olt, %slice3A_461, %select_n3A_456 : vector<8x2048xf32>
    %select_n3A_463 = arith.select %lt3A_462, %slice3A_461, %select_n3A_456 : vector<8x2048xi1>, vector<8x2048xf32>
    %add3A_464 = arith.constant 6.200000e+01 : f32
    %add3A_465 = arith.addf %convert_element_type3A_29, %add3A_464 : f32
    %broadcast_in_dim3A_466 = vector.broadcast %add3A_465 : f32 to vector<8x2048xf32>
    %select_n3A_467 = arith.select %lt3A_462, %broadcast_in_dim3A_466, %select_n3A_460 : vector<8x2048xi1>, vector<8x2048xf32>
    %slice3A_468 = vector.extract_strided_slice %add3A_25 {offsets = [504, 0], sizes = [8, 2048], strides = [1, 1]} : vector<512x2048xf32> to vector<8x2048xf32>
    %lt3A_469 = arith.cmpf olt, %slice3A_468, %select_n3A_463 : vector<8x2048xf32>
    %select_n3A_470 = arith.select %lt3A_469, %slice3A_468, %select_n3A_463 : vector<8x2048xi1>, vector<8x2048xf32>
    %add3A_471 = arith.constant 6.300000e+01 : f32
    %add3A_472 = arith.addf %convert_element_type3A_29, %add3A_471 : f32
    %broadcast_in_dim3A_473 = vector.broadcast %add3A_472 : f32 to vector<8x2048xf32>
    %select_n3A_474 = arith.select %lt3A_469, %broadcast_in_dim3A_473, %select_n3A_467 : vector<8x2048xi1>, vector<8x2048xf32>
    %mul3A_475 = arith.constant 1 : i32
    %mul3A_476 = arith.constant 512 : i32
    %mul3A_477 = arith.muli %mul3A_475, %mul3A_476 : i32
    %get3A_478 = arith.index_cast %mul3A_477 : i32 to index
    %get3A_479 = arith.constant 0 : index
    %get3A_480 = vector.load %arg6[%get3A_478, %get3A_479] : memref<1024x256xf32, #tpu.memory_space<vmem>>, vector<512x256xf32>
    %dot_general3A_481 = arith.constant dense<0.000000e+00> : vector<512x2048xf32>
    %dot_general3A_482 = tpu.matmul %get3A_480, %get3A_1, %dot_general3A_481 {dimension_numbers = #tpu.dot_dimension_numbers<[1], [1], [0], [0], [0, 0, 1, 0], [], []>, transpose_lhs_hint = false} : vector<512x256xf32>, vector<2048x256xf32>, vector<512x2048xf32> -> vector<512x2048xf32>
    %mul3A_483 = arith.constant 1 : i32
    %mul3A_484 = arith.constant 512 : i32
    %mul3A_485 = arith.muli %mul3A_483, %mul3A_484 : i32
    %get3A_486 = arith.index_cast %mul3A_485 : i32 to index
    %get3A_487 = arith.constant 0 : index
    %get3A_488 = vector.load %arg5[%get3A_486, %get3A_487] : memref<1024x1xf32, #tpu.memory_space<vmem>>, vector<512x1xf32>
    %add3A_489 = vector.broadcast %transpose3A : vector<1x2048xf32> to vector<512x2048xf32>
    %add3A_490 = vector.broadcast %get3A_488 : vector<512x1xf32> to vector<512x2048xf32>
    %add3A_491 = arith.addf %add3A_489, %add3A_490 : vector<512x2048xf32>
    %add3A_492 = arith.addf %add3A_491, %dot_general3A_482 : vector<512x2048xf32>
    %mul3A_493 = arith.constant 1 : i32
    %mul3A_494 = arith.constant 64 : i32
    %mul3A_495 = arith.muli %mul3A_493, %mul3A_494 : i32
    %convert_element_type3A_496 = arith.sitofp %mul3A_495 : i32 to f32
    %slice3A_497 = vector.extract_strided_slice %add3A_492 {offsets = [0, 0], sizes = [8, 2048], strides = [1, 1]} : vector<512x2048xf32> to vector<8x2048xf32>
    %lt3A_498 = arith.cmpf olt, %slice3A_497, %select_n3A_470 : vector<8x2048xf32>
    %select_n3A_499 = arith.select %lt3A_498, %slice3A_497, %select_n3A_470 : vector<8x2048xi1>, vector<8x2048xf32>
    %add3A_500 = arith.constant 0.000000e+00 : f32
    %add3A_501 = arith.addf %convert_element_type3A_496, %add3A_500 : f32
    %broadcast_in_dim3A_502 = vector.broadcast %add3A_501 : f32 to vector<8x2048xf32>
    %select_n3A_503 = arith.select %lt3A_498, %broadcast_in_dim3A_502, %select_n3A_474 : vector<8x2048xi1>, vector<8x2048xf32>
    %slice3A_504 = vector.extract_strided_slice %add3A_492 {offsets = [8, 0], sizes = [8, 2048], strides = [1, 1]} : vector<512x2048xf32> to vector<8x2048xf32>
    %lt3A_505 = arith.cmpf olt, %slice3A_504, %select_n3A_499 : vector<8x2048xf32>
    %select_n3A_506 = arith.select %lt3A_505, %slice3A_504, %select_n3A_499 : vector<8x2048xi1>, vector<8x2048xf32>
    %add3A_507 = arith.constant 1.000000e+00 : f32
    %add3A_508 = arith.addf %convert_element_type3A_496, %add3A_507 : f32
    %broadcast_in_dim3A_509 = vector.broadcast %add3A_508 : f32 to vector<8x2048xf32>
    %select_n3A_510 = arith.select %lt3A_505, %broadcast_in_dim3A_509, %select_n3A_503 : vector<8x2048xi1>, vector<8x2048xf32>
    %slice3A_511 = vector.extract_strided_slice %add3A_492 {offsets = [16, 0], sizes = [8, 2048], strides = [1, 1]} : vector<512x2048xf32> to vector<8x2048xf32>
    %lt3A_512 = arith.cmpf olt, %slice3A_511, %select_n3A_506 : vector<8x2048xf32>
    %select_n3A_513 = arith.select %lt3A_512, %slice3A_511, %select_n3A_506 : vector<8x2048xi1>, vector<8x2048xf32>
    %add3A_514 = arith.constant 2.000000e+00 : f32
    %add3A_515 = arith.addf %convert_element_type3A_496, %add3A_514 : f32
    %broadcast_in_dim3A_516 = vector.broadcast %add3A_515 : f32 to vector<8x2048xf32>
    %select_n3A_517 = arith.select %lt3A_512, %broadcast_in_dim3A_516, %select_n3A_510 : vector<8x2048xi1>, vector<8x2048xf32>
    %slice3A_518 = vector.extract_strided_slice %add3A_492 {offsets = [24, 0], sizes = [8, 2048], strides = [1, 1]} : vector<512x2048xf32> to vector<8x2048xf32>
    %lt3A_519 = arith.cmpf olt, %slice3A_518, %select_n3A_513 : vector<8x2048xf32>
    %select_n3A_520 = arith.select %lt3A_519, %slice3A_518, %select_n3A_513 : vector<8x2048xi1>, vector<8x2048xf32>
    %add3A_521 = arith.constant 3.000000e+00 : f32
    %add3A_522 = arith.addf %convert_element_type3A_496, %add3A_521 : f32
    %broadcast_in_dim3A_523 = vector.broadcast %add3A_522 : f32 to vector<8x2048xf32>
    %select_n3A_524 = arith.select %lt3A_519, %broadcast_in_dim3A_523, %select_n3A_517 : vector<8x2048xi1>, vector<8x2048xf32>
    %slice3A_525 = vector.extract_strided_slice %add3A_492 {offsets = [32, 0], sizes = [8, 2048], strides = [1, 1]} : vector<512x2048xf32> to vector<8x2048xf32>
    %lt3A_526 = arith.cmpf olt, %slice3A_525, %select_n3A_520 : vector<8x2048xf32>
    %select_n3A_527 = arith.select %lt3A_526, %slice3A_525, %select_n3A_520 : vector<8x2048xi1>, vector<8x2048xf32>
    %add3A_528 = arith.constant 4.000000e+00 : f32
    %add3A_529 = arith.addf %convert_element_type3A_496, %add3A_528 : f32
    %broadcast_in_dim3A_530 = vector.broadcast %add3A_529 : f32 to vector<8x2048xf32>
    %select_n3A_531 = arith.select %lt3A_526, %broadcast_in_dim3A_530, %select_n3A_524 : vector<8x2048xi1>, vector<8x2048xf32>
    %slice3A_532 = vector.extract_strided_slice %add3A_492 {offsets = [40, 0], sizes = [8, 2048], strides = [1, 1]} : vector<512x2048xf32> to vector<8x2048xf32>
    %lt3A_533 = arith.cmpf olt, %slice3A_532, %select_n3A_527 : vector<8x2048xf32>
    %select_n3A_534 = arith.select %lt3A_533, %slice3A_532, %select_n3A_527 : vector<8x2048xi1>, vector<8x2048xf32>
    %add3A_535 = arith.constant 5.000000e+00 : f32
    %add3A_536 = arith.addf %convert_element_type3A_496, %add3A_535 : f32
    %broadcast_in_dim3A_537 = vector.broadcast %add3A_536 : f32 to vector<8x2048xf32>
    %select_n3A_538 = arith.select %lt3A_533, %broadcast_in_dim3A_537, %select_n3A_531 : vector<8x2048xi1>, vector<8x2048xf32>
    %slice3A_539 = vector.extract_strided_slice %add3A_492 {offsets = [48, 0], sizes = [8, 2048], strides = [1, 1]} : vector<512x2048xf32> to vector<8x2048xf32>
    %lt3A_540 = arith.cmpf olt, %slice3A_539, %select_n3A_534 : vector<8x2048xf32>
    %select_n3A_541 = arith.select %lt3A_540, %slice3A_539, %select_n3A_534 : vector<8x2048xi1>, vector<8x2048xf32>
    %add3A_542 = arith.constant 6.000000e+00 : f32
    %add3A_543 = arith.addf %convert_element_type3A_496, %add3A_542 : f32
    %broadcast_in_dim3A_544 = vector.broadcast %add3A_543 : f32 to vector<8x2048xf32>
    %select_n3A_545 = arith.select %lt3A_540, %broadcast_in_dim3A_544, %select_n3A_538 : vector<8x2048xi1>, vector<8x2048xf32>
    %slice3A_546 = vector.extract_strided_slice %add3A_492 {offsets = [56, 0], sizes = [8, 2048], strides = [1, 1]} : vector<512x2048xf32> to vector<8x2048xf32>
    %lt3A_547 = arith.cmpf olt, %slice3A_546, %select_n3A_541 : vector<8x2048xf32>
    %select_n3A_548 = arith.select %lt3A_547, %slice3A_546, %select_n3A_541 : vector<8x2048xi1>, vector<8x2048xf32>
    %add3A_549 = arith.constant 7.000000e+00 : f32
    %add3A_550 = arith.addf %convert_element_type3A_496, %add3A_549 : f32
    %broadcast_in_dim3A_551 = vector.broadcast %add3A_550 : f32 to vector<8x2048xf32>
    %select_n3A_552 = arith.select %lt3A_547, %broadcast_in_dim3A_551, %select_n3A_545 : vector<8x2048xi1>, vector<8x2048xf32>
    %slice3A_553 = vector.extract_strided_slice %add3A_492 {offsets = [64, 0], sizes = [8, 2048], strides = [1, 1]} : vector<512x2048xf32> to vector<8x2048xf32>
    %lt3A_554 = arith.cmpf olt, %slice3A_553, %select_n3A_548 : vector<8x2048xf32>
    %select_n3A_555 = arith.select %lt3A_554, %slice3A_553, %select_n3A_548 : vector<8x2048xi1>, vector<8x2048xf32>
    %add3A_556 = arith.constant 8.000000e+00 : f32
    %add3A_557 = arith.addf %convert_element_type3A_496, %add3A_556 : f32
    %broadcast_in_dim3A_558 = vector.broadcast %add3A_557 : f32 to vector<8x2048xf32>
    %select_n3A_559 = arith.select %lt3A_554, %broadcast_in_dim3A_558, %select_n3A_552 : vector<8x2048xi1>, vector<8x2048xf32>
    %slice3A_560 = vector.extract_strided_slice %add3A_492 {offsets = [72, 0], sizes = [8, 2048], strides = [1, 1]} : vector<512x2048xf32> to vector<8x2048xf32>
    %lt3A_561 = arith.cmpf olt, %slice3A_560, %select_n3A_555 : vector<8x2048xf32>
    %select_n3A_562 = arith.select %lt3A_561, %slice3A_560, %select_n3A_555 : vector<8x2048xi1>, vector<8x2048xf32>
    %add3A_563 = arith.constant 9.000000e+00 : f32
    %add3A_564 = arith.addf %convert_element_type3A_496, %add3A_563 : f32
    %broadcast_in_dim3A_565 = vector.broadcast %add3A_564 : f32 to vector<8x2048xf32>
    %select_n3A_566 = arith.select %lt3A_561, %broadcast_in_dim3A_565, %select_n3A_559 : vector<8x2048xi1>, vector<8x2048xf32>
    %slice3A_567 = vector.extract_strided_slice %add3A_492 {offsets = [80, 0], sizes = [8, 2048], strides = [1, 1]} : vector<512x2048xf32> to vector<8x2048xf32>
    %lt3A_568 = arith.cmpf olt, %slice3A_567, %select_n3A_562 : vector<8x2048xf32>
    %select_n3A_569 = arith.select %lt3A_568, %slice3A_567, %select_n3A_562 : vector<8x2048xi1>, vector<8x2048xf32>
    %add3A_570 = arith.constant 1.000000e+01 : f32
    %add3A_571 = arith.addf %convert_element_type3A_496, %add3A_570 : f32
    %broadcast_in_dim3A_572 = vector.broadcast %add3A_571 : f32 to vector<8x2048xf32>
    %select_n3A_573 = arith.select %lt3A_568, %broadcast_in_dim3A_572, %select_n3A_566 : vector<8x2048xi1>, vector<8x2048xf32>
    %slice3A_574 = vector.extract_strided_slice %add3A_492 {offsets = [88, 0], sizes = [8, 2048], strides = [1, 1]} : vector<512x2048xf32> to vector<8x2048xf32>
    %lt3A_575 = arith.cmpf olt, %slice3A_574, %select_n3A_569 : vector<8x2048xf32>
    %select_n3A_576 = arith.select %lt3A_575, %slice3A_574, %select_n3A_569 : vector<8x2048xi1>, vector<8x2048xf32>
    %add3A_577 = arith.constant 1.100000e+01 : f32
    %add3A_578 = arith.addf %convert_element_type3A_496, %add3A_577 : f32
    %broadcast_in_dim3A_579 = vector.broadcast %add3A_578 : f32 to vector<8x2048xf32>
    %select_n3A_580 = arith.select %lt3A_575, %broadcast_in_dim3A_579, %select_n3A_573 : vector<8x2048xi1>, vector<8x2048xf32>
    %slice3A_581 = vector.extract_strided_slice %add3A_492 {offsets = [96, 0], sizes = [8, 2048], strides = [1, 1]} : vector<512x2048xf32> to vector<8x2048xf32>
    %lt3A_582 = arith.cmpf olt, %slice3A_581, %select_n3A_576 : vector<8x2048xf32>
    %select_n3A_583 = arith.select %lt3A_582, %slice3A_581, %select_n3A_576 : vector<8x2048xi1>, vector<8x2048xf32>
    %add3A_584 = arith.constant 1.200000e+01 : f32
    %add3A_585 = arith.addf %convert_element_type3A_496, %add3A_584 : f32
    %broadcast_in_dim3A_586 = vector.broadcast %add3A_585 : f32 to vector<8x2048xf32>
    %select_n3A_587 = arith.select %lt3A_582, %broadcast_in_dim3A_586, %select_n3A_580 : vector<8x2048xi1>, vector<8x2048xf32>
    %slice3A_588 = vector.extract_strided_slice %add3A_492 {offsets = [104, 0], sizes = [8, 2048], strides = [1, 1]} : vector<512x2048xf32> to vector<8x2048xf32>
    %lt3A_589 = arith.cmpf olt, %slice3A_588, %select_n3A_583 : vector<8x2048xf32>
    %select_n3A_590 = arith.select %lt3A_589, %slice3A_588, %select_n3A_583 : vector<8x2048xi1>, vector<8x2048xf32>
    %add3A_591 = arith.constant 1.300000e+01 : f32
    %add3A_592 = arith.addf %convert_element_type3A_496, %add3A_591 : f32
    %broadcast_in_dim3A_593 = vector.broadcast %add3A_592 : f32 to vector<8x2048xf32>
    %select_n3A_594 = arith.select %lt3A_589, %broadcast_in_dim3A_593, %select_n3A_587 : vector<8x2048xi1>, vector<8x2048xf32>
    %slice3A_595 = vector.extract_strided_slice %add3A_492 {offsets = [112, 0], sizes = [8, 2048], strides = [1, 1]} : vector<512x2048xf32> to vector<8x2048xf32>
    %lt3A_596 = arith.cmpf olt, %slice3A_595, %select_n3A_590 : vector<8x2048xf32>
    %select_n3A_597 = arith.select %lt3A_596, %slice3A_595, %select_n3A_590 : vector<8x2048xi1>, vector<8x2048xf32>
    %add3A_598 = arith.constant 1.400000e+01 : f32
    %add3A_599 = arith.addf %convert_element_type3A_496, %add3A_598 : f32
    %broadcast_in_dim3A_600 = vector.broadcast %add3A_599 : f32 to vector<8x2048xf32>
    %select_n3A_601 = arith.select %lt3A_596, %broadcast_in_dim3A_600, %select_n3A_594 : vector<8x2048xi1>, vector<8x2048xf32>
    %slice3A_602 = vector.extract_strided_slice %add3A_492 {offsets = [120, 0], sizes = [8, 2048], strides = [1, 1]} : vector<512x2048xf32> to vector<8x2048xf32>
    %lt3A_603 = arith.cmpf olt, %slice3A_602, %select_n3A_597 : vector<8x2048xf32>
    %select_n3A_604 = arith.select %lt3A_603, %slice3A_602, %select_n3A_597 : vector<8x2048xi1>, vector<8x2048xf32>
    %add3A_605 = arith.constant 1.500000e+01 : f32
    %add3A_606 = arith.addf %convert_element_type3A_496, %add3A_605 : f32
    %broadcast_in_dim3A_607 = vector.broadcast %add3A_606 : f32 to vector<8x2048xf32>
    %select_n3A_608 = arith.select %lt3A_603, %broadcast_in_dim3A_607, %select_n3A_601 : vector<8x2048xi1>, vector<8x2048xf32>
    %slice3A_609 = vector.extract_strided_slice %add3A_492 {offsets = [128, 0], sizes = [8, 2048], strides = [1, 1]} : vector<512x2048xf32> to vector<8x2048xf32>
    %lt3A_610 = arith.cmpf olt, %slice3A_609, %select_n3A_604 : vector<8x2048xf32>
    %select_n3A_611 = arith.select %lt3A_610, %slice3A_609, %select_n3A_604 : vector<8x2048xi1>, vector<8x2048xf32>
    %add3A_612 = arith.constant 1.600000e+01 : f32
    %add3A_613 = arith.addf %convert_element_type3A_496, %add3A_612 : f32
    %broadcast_in_dim3A_614 = vector.broadcast %add3A_613 : f32 to vector<8x2048xf32>
    %select_n3A_615 = arith.select %lt3A_610, %broadcast_in_dim3A_614, %select_n3A_608 : vector<8x2048xi1>, vector<8x2048xf32>
    %slice3A_616 = vector.extract_strided_slice %add3A_492 {offsets = [136, 0], sizes = [8, 2048], strides = [1, 1]} : vector<512x2048xf32> to vector<8x2048xf32>
    %lt3A_617 = arith.cmpf olt, %slice3A_616, %select_n3A_611 : vector<8x2048xf32>
    %select_n3A_618 = arith.select %lt3A_617, %slice3A_616, %select_n3A_611 : vector<8x2048xi1>, vector<8x2048xf32>
    %add3A_619 = arith.constant 1.700000e+01 : f32
    %add3A_620 = arith.addf %convert_element_type3A_496, %add3A_619 : f32
    %broadcast_in_dim3A_621 = vector.broadcast %add3A_620 : f32 to vector<8x2048xf32>
    %select_n3A_622 = arith.select %lt3A_617, %broadcast_in_dim3A_621, %select_n3A_615 : vector<8x2048xi1>, vector<8x2048xf32>
    %slice3A_623 = vector.extract_strided_slice %add3A_492 {offsets = [144, 0], sizes = [8, 2048], strides = [1, 1]} : vector<512x2048xf32> to vector<8x2048xf32>
    %lt3A_624 = arith.cmpf olt, %slice3A_623, %select_n3A_618 : vector<8x2048xf32>
    %select_n3A_625 = arith.select %lt3A_624, %slice3A_623, %select_n3A_618 : vector<8x2048xi1>, vector<8x2048xf32>
    %add3A_626 = arith.constant 1.800000e+01 : f32
    %add3A_627 = arith.addf %convert_element_type3A_496, %add3A_626 : f32
    %broadcast_in_dim3A_628 = vector.broadcast %add3A_627 : f32 to vector<8x2048xf32>
    %select_n3A_629 = arith.select %lt3A_624, %broadcast_in_dim3A_628, %select_n3A_622 : vector<8x2048xi1>, vector<8x2048xf32>
    %slice3A_630 = vector.extract_strided_slice %add3A_492 {offsets = [152, 0], sizes = [8, 2048], strides = [1, 1]} : vector<512x2048xf32> to vector<8x2048xf32>
    %lt3A_631 = arith.cmpf olt, %slice3A_630, %select_n3A_625 : vector<8x2048xf32>
    %select_n3A_632 = arith.select %lt3A_631, %slice3A_630, %select_n3A_625 : vector<8x2048xi1>, vector<8x2048xf32>
    %add3A_633 = arith.constant 1.900000e+01 : f32
    %add3A_634 = arith.addf %convert_element_type3A_496, %add3A_633 : f32
    %broadcast_in_dim3A_635 = vector.broadcast %add3A_634 : f32 to vector<8x2048xf32>
    %select_n3A_636 = arith.select %lt3A_631, %broadcast_in_dim3A_635, %select_n3A_629 : vector<8x2048xi1>, vector<8x2048xf32>
    %slice3A_637 = vector.extract_strided_slice %add3A_492 {offsets = [160, 0], sizes = [8, 2048], strides = [1, 1]} : vector<512x2048xf32> to vector<8x2048xf32>
    %lt3A_638 = arith.cmpf olt, %slice3A_637, %select_n3A_632 : vector<8x2048xf32>
    %select_n3A_639 = arith.select %lt3A_638, %slice3A_637, %select_n3A_632 : vector<8x2048xi1>, vector<8x2048xf32>
    %add3A_640 = arith.constant 2.000000e+01 : f32
    %add3A_641 = arith.addf %convert_element_type3A_496, %add3A_640 : f32
    %broadcast_in_dim3A_642 = vector.broadcast %add3A_641 : f32 to vector<8x2048xf32>
    %select_n3A_643 = arith.select %lt3A_638, %broadcast_in_dim3A_642, %select_n3A_636 : vector<8x2048xi1>, vector<8x2048xf32>
    %slice3A_644 = vector.extract_strided_slice %add3A_492 {offsets = [168, 0], sizes = [8, 2048], strides = [1, 1]} : vector<512x2048xf32> to vector<8x2048xf32>
    %lt3A_645 = arith.cmpf olt, %slice3A_644, %select_n3A_639 : vector<8x2048xf32>
    %select_n3A_646 = arith.select %lt3A_645, %slice3A_644, %select_n3A_639 : vector<8x2048xi1>, vector<8x2048xf32>
    %add3A_647 = arith.constant 2.100000e+01 : f32
    %add3A_648 = arith.addf %convert_element_type3A_496, %add3A_647 : f32
    %broadcast_in_dim3A_649 = vector.broadcast %add3A_648 : f32 to vector<8x2048xf32>
    %select_n3A_650 = arith.select %lt3A_645, %broadcast_in_dim3A_649, %select_n3A_643 : vector<8x2048xi1>, vector<8x2048xf32>
    %slice3A_651 = vector.extract_strided_slice %add3A_492 {offsets = [176, 0], sizes = [8, 2048], strides = [1, 1]} : vector<512x2048xf32> to vector<8x2048xf32>
    %lt3A_652 = arith.cmpf olt, %slice3A_651, %select_n3A_646 : vector<8x2048xf32>
    %select_n3A_653 = arith.select %lt3A_652, %slice3A_651, %select_n3A_646 : vector<8x2048xi1>, vector<8x2048xf32>
    %add3A_654 = arith.constant 2.200000e+01 : f32
    %add3A_655 = arith.addf %convert_element_type3A_496, %add3A_654 : f32
    %broadcast_in_dim3A_656 = vector.broadcast %add3A_655 : f32 to vector<8x2048xf32>
    %select_n3A_657 = arith.select %lt3A_652, %broadcast_in_dim3A_656, %select_n3A_650 : vector<8x2048xi1>, vector<8x2048xf32>
    %slice3A_658 = vector.extract_strided_slice %add3A_492 {offsets = [184, 0], sizes = [8, 2048], strides = [1, 1]} : vector<512x2048xf32> to vector<8x2048xf32>
    %lt3A_659 = arith.cmpf olt, %slice3A_658, %select_n3A_653 : vector<8x2048xf32>
    %select_n3A_660 = arith.select %lt3A_659, %slice3A_658, %select_n3A_653 : vector<8x2048xi1>, vector<8x2048xf32>
    %add3A_661 = arith.constant 2.300000e+01 : f32
    %add3A_662 = arith.addf %convert_element_type3A_496, %add3A_661 : f32
    %broadcast_in_dim3A_663 = vector.broadcast %add3A_662 : f32 to vector<8x2048xf32>
    %select_n3A_664 = arith.select %lt3A_659, %broadcast_in_dim3A_663, %select_n3A_657 : vector<8x2048xi1>, vector<8x2048xf32>
    %slice3A_665 = vector.extract_strided_slice %add3A_492 {offsets = [192, 0], sizes = [8, 2048], strides = [1, 1]} : vector<512x2048xf32> to vector<8x2048xf32>
    %lt3A_666 = arith.cmpf olt, %slice3A_665, %select_n3A_660 : vector<8x2048xf32>
    %select_n3A_667 = arith.select %lt3A_666, %slice3A_665, %select_n3A_660 : vector<8x2048xi1>, vector<8x2048xf32>
    %add3A_668 = arith.constant 2.400000e+01 : f32
    %add3A_669 = arith.addf %convert_element_type3A_496, %add3A_668 : f32
    %broadcast_in_dim3A_670 = vector.broadcast %add3A_669 : f32 to vector<8x2048xf32>
    %select_n3A_671 = arith.select %lt3A_666, %broadcast_in_dim3A_670, %select_n3A_664 : vector<8x2048xi1>, vector<8x2048xf32>
    %slice3A_672 = vector.extract_strided_slice %add3A_492 {offsets = [200, 0], sizes = [8, 2048], strides = [1, 1]} : vector<512x2048xf32> to vector<8x2048xf32>
    %lt3A_673 = arith.cmpf olt, %slice3A_672, %select_n3A_667 : vector<8x2048xf32>
    %select_n3A_674 = arith.select %lt3A_673, %slice3A_672, %select_n3A_667 : vector<8x2048xi1>, vector<8x2048xf32>
    %add3A_675 = arith.constant 2.500000e+01 : f32
    %add3A_676 = arith.addf %convert_element_type3A_496, %add3A_675 : f32
    %broadcast_in_dim3A_677 = vector.broadcast %add3A_676 : f32 to vector<8x2048xf32>
    %select_n3A_678 = arith.select %lt3A_673, %broadcast_in_dim3A_677, %select_n3A_671 : vector<8x2048xi1>, vector<8x2048xf32>
    %slice3A_679 = vector.extract_strided_slice %add3A_492 {offsets = [208, 0], sizes = [8, 2048], strides = [1, 1]} : vector<512x2048xf32> to vector<8x2048xf32>
    %lt3A_680 = arith.cmpf olt, %slice3A_679, %select_n3A_674 : vector<8x2048xf32>
    %select_n3A_681 = arith.select %lt3A_680, %slice3A_679, %select_n3A_674 : vector<8x2048xi1>, vector<8x2048xf32>
    %add3A_682 = arith.constant 2.600000e+01 : f32
    %add3A_683 = arith.addf %convert_element_type3A_496, %add3A_682 : f32
    %broadcast_in_dim3A_684 = vector.broadcast %add3A_683 : f32 to vector<8x2048xf32>
    %select_n3A_685 = arith.select %lt3A_680, %broadcast_in_dim3A_684, %select_n3A_678 : vector<8x2048xi1>, vector<8x2048xf32>
    %slice3A_686 = vector.extract_strided_slice %add3A_492 {offsets = [216, 0], sizes = [8, 2048], strides = [1, 1]} : vector<512x2048xf32> to vector<8x2048xf32>
    %lt3A_687 = arith.cmpf olt, %slice3A_686, %select_n3A_681 : vector<8x2048xf32>
    %select_n3A_688 = arith.select %lt3A_687, %slice3A_686, %select_n3A_681 : vector<8x2048xi1>, vector<8x2048xf32>
    %add3A_689 = arith.constant 2.700000e+01 : f32
    %add3A_690 = arith.addf %convert_element_type3A_496, %add3A_689 : f32
    %broadcast_in_dim3A_691 = vector.broadcast %add3A_690 : f32 to vector<8x2048xf32>
    %select_n3A_692 = arith.select %lt3A_687, %broadcast_in_dim3A_691, %select_n3A_685 : vector<8x2048xi1>, vector<8x2048xf32>
    %slice3A_693 = vector.extract_strided_slice %add3A_492 {offsets = [224, 0], sizes = [8, 2048], strides = [1, 1]} : vector<512x2048xf32> to vector<8x2048xf32>
    %lt3A_694 = arith.cmpf olt, %slice3A_693, %select_n3A_688 : vector<8x2048xf32>
    %select_n3A_695 = arith.select %lt3A_694, %slice3A_693, %select_n3A_688 : vector<8x2048xi1>, vector<8x2048xf32>
    %add3A_696 = arith.constant 2.800000e+01 : f32
    %add3A_697 = arith.addf %convert_element_type3A_496, %add3A_696 : f32
    %broadcast_in_dim3A_698 = vector.broadcast %add3A_697 : f32 to vector<8x2048xf32>
    %select_n3A_699 = arith.select %lt3A_694, %broadcast_in_dim3A_698, %select_n3A_692 : vector<8x2048xi1>, vector<8x2048xf32>
    %slice3A_700 = vector.extract_strided_slice %add3A_492 {offsets = [232, 0], sizes = [8, 2048], strides = [1, 1]} : vector<512x2048xf32> to vector<8x2048xf32>
    %lt3A_701 = arith.cmpf olt, %slice3A_700, %select_n3A_695 : vector<8x2048xf32>
    %select_n3A_702 = arith.select %lt3A_701, %slice3A_700, %select_n3A_695 : vector<8x2048xi1>, vector<8x2048xf32>
    %add3A_703 = arith.constant 2.900000e+01 : f32
    %add3A_704 = arith.addf %convert_element_type3A_496, %add3A_703 : f32
    %broadcast_in_dim3A_705 = vector.broadcast %add3A_704 : f32 to vector<8x2048xf32>
    %select_n3A_706 = arith.select %lt3A_701, %broadcast_in_dim3A_705, %select_n3A_699 : vector<8x2048xi1>, vector<8x2048xf32>
    %slice3A_707 = vector.extract_strided_slice %add3A_492 {offsets = [240, 0], sizes = [8, 2048], strides = [1, 1]} : vector<512x2048xf32> to vector<8x2048xf32>
    %lt3A_708 = arith.cmpf olt, %slice3A_707, %select_n3A_702 : vector<8x2048xf32>
    %select_n3A_709 = arith.select %lt3A_708, %slice3A_707, %select_n3A_702 : vector<8x2048xi1>, vector<8x2048xf32>
    %add3A_710 = arith.constant 3.000000e+01 : f32
    %add3A_711 = arith.addf %convert_element_type3A_496, %add3A_710 : f32
    %broadcast_in_dim3A_712 = vector.broadcast %add3A_711 : f32 to vector<8x2048xf32>
    %select_n3A_713 = arith.select %lt3A_708, %broadcast_in_dim3A_712, %select_n3A_706 : vector<8x2048xi1>, vector<8x2048xf32>
    %slice3A_714 = vector.extract_strided_slice %add3A_492 {offsets = [248, 0], sizes = [8, 2048], strides = [1, 1]} : vector<512x2048xf32> to vector<8x2048xf32>
    %lt3A_715 = arith.cmpf olt, %slice3A_714, %select_n3A_709 : vector<8x2048xf32>
    %select_n3A_716 = arith.select %lt3A_715, %slice3A_714, %select_n3A_709 : vector<8x2048xi1>, vector<8x2048xf32>
    %add3A_717 = arith.constant 3.100000e+01 : f32
    %add3A_718 = arith.addf %convert_element_type3A_496, %add3A_717 : f32
    %broadcast_in_dim3A_719 = vector.broadcast %add3A_718 : f32 to vector<8x2048xf32>
    %select_n3A_720 = arith.select %lt3A_715, %broadcast_in_dim3A_719, %select_n3A_713 : vector<8x2048xi1>, vector<8x2048xf32>
    %slice3A_721 = vector.extract_strided_slice %add3A_492 {offsets = [256, 0], sizes = [8, 2048], strides = [1, 1]} : vector<512x2048xf32> to vector<8x2048xf32>
    %lt3A_722 = arith.cmpf olt, %slice3A_721, %select_n3A_716 : vector<8x2048xf32>
    %select_n3A_723 = arith.select %lt3A_722, %slice3A_721, %select_n3A_716 : vector<8x2048xi1>, vector<8x2048xf32>
    %add3A_724 = arith.constant 3.200000e+01 : f32
    %add3A_725 = arith.addf %convert_element_type3A_496, %add3A_724 : f32
    %broadcast_in_dim3A_726 = vector.broadcast %add3A_725 : f32 to vector<8x2048xf32>
    %select_n3A_727 = arith.select %lt3A_722, %broadcast_in_dim3A_726, %select_n3A_720 : vector<8x2048xi1>, vector<8x2048xf32>
    %slice3A_728 = vector.extract_strided_slice %add3A_492 {offsets = [264, 0], sizes = [8, 2048], strides = [1, 1]} : vector<512x2048xf32> to vector<8x2048xf32>
    %lt3A_729 = arith.cmpf olt, %slice3A_728, %select_n3A_723 : vector<8x2048xf32>
    %select_n3A_730 = arith.select %lt3A_729, %slice3A_728, %select_n3A_723 : vector<8x2048xi1>, vector<8x2048xf32>
    %add3A_731 = arith.constant 3.300000e+01 : f32
    %add3A_732 = arith.addf %convert_element_type3A_496, %add3A_731 : f32
    %broadcast_in_dim3A_733 = vector.broadcast %add3A_732 : f32 to vector<8x2048xf32>
    %select_n3A_734 = arith.select %lt3A_729, %broadcast_in_dim3A_733, %select_n3A_727 : vector<8x2048xi1>, vector<8x2048xf32>
    %slice3A_735 = vector.extract_strided_slice %add3A_492 {offsets = [272, 0], sizes = [8, 2048], strides = [1, 1]} : vector<512x2048xf32> to vector<8x2048xf32>
    %lt3A_736 = arith.cmpf olt, %slice3A_735, %select_n3A_730 : vector<8x2048xf32>
    %select_n3A_737 = arith.select %lt3A_736, %slice3A_735, %select_n3A_730 : vector<8x2048xi1>, vector<8x2048xf32>
    %add3A_738 = arith.constant 3.400000e+01 : f32
    %add3A_739 = arith.addf %convert_element_type3A_496, %add3A_738 : f32
    %broadcast_in_dim3A_740 = vector.broadcast %add3A_739 : f32 to vector<8x2048xf32>
    %select_n3A_741 = arith.select %lt3A_736, %broadcast_in_dim3A_740, %select_n3A_734 : vector<8x2048xi1>, vector<8x2048xf32>
    %slice3A_742 = vector.extract_strided_slice %add3A_492 {offsets = [280, 0], sizes = [8, 2048], strides = [1, 1]} : vector<512x2048xf32> to vector<8x2048xf32>
    %lt3A_743 = arith.cmpf olt, %slice3A_742, %select_n3A_737 : vector<8x2048xf32>
    %select_n3A_744 = arith.select %lt3A_743, %slice3A_742, %select_n3A_737 : vector<8x2048xi1>, vector<8x2048xf32>
    %add3A_745 = arith.constant 3.500000e+01 : f32
    %add3A_746 = arith.addf %convert_element_type3A_496, %add3A_745 : f32
    %broadcast_in_dim3A_747 = vector.broadcast %add3A_746 : f32 to vector<8x2048xf32>
    %select_n3A_748 = arith.select %lt3A_743, %broadcast_in_dim3A_747, %select_n3A_741 : vector<8x2048xi1>, vector<8x2048xf32>
    %slice3A_749 = vector.extract_strided_slice %add3A_492 {offsets = [288, 0], sizes = [8, 2048], strides = [1, 1]} : vector<512x2048xf32> to vector<8x2048xf32>
    %lt3A_750 = arith.cmpf olt, %slice3A_749, %select_n3A_744 : vector<8x2048xf32>
    %select_n3A_751 = arith.select %lt3A_750, %slice3A_749, %select_n3A_744 : vector<8x2048xi1>, vector<8x2048xf32>
    %add3A_752 = arith.constant 3.600000e+01 : f32
    %add3A_753 = arith.addf %convert_element_type3A_496, %add3A_752 : f32
    %broadcast_in_dim3A_754 = vector.broadcast %add3A_753 : f32 to vector<8x2048xf32>
    %select_n3A_755 = arith.select %lt3A_750, %broadcast_in_dim3A_754, %select_n3A_748 : vector<8x2048xi1>, vector<8x2048xf32>
    %slice3A_756 = vector.extract_strided_slice %add3A_492 {offsets = [296, 0], sizes = [8, 2048], strides = [1, 1]} : vector<512x2048xf32> to vector<8x2048xf32>
    %lt3A_757 = arith.cmpf olt, %slice3A_756, %select_n3A_751 : vector<8x2048xf32>
    %select_n3A_758 = arith.select %lt3A_757, %slice3A_756, %select_n3A_751 : vector<8x2048xi1>, vector<8x2048xf32>
    %add3A_759 = arith.constant 3.700000e+01 : f32
    %add3A_760 = arith.addf %convert_element_type3A_496, %add3A_759 : f32
    %broadcast_in_dim3A_761 = vector.broadcast %add3A_760 : f32 to vector<8x2048xf32>
    %select_n3A_762 = arith.select %lt3A_757, %broadcast_in_dim3A_761, %select_n3A_755 : vector<8x2048xi1>, vector<8x2048xf32>
    %slice3A_763 = vector.extract_strided_slice %add3A_492 {offsets = [304, 0], sizes = [8, 2048], strides = [1, 1]} : vector<512x2048xf32> to vector<8x2048xf32>
    %lt3A_764 = arith.cmpf olt, %slice3A_763, %select_n3A_758 : vector<8x2048xf32>
    %select_n3A_765 = arith.select %lt3A_764, %slice3A_763, %select_n3A_758 : vector<8x2048xi1>, vector<8x2048xf32>
    %add3A_766 = arith.constant 3.800000e+01 : f32
    %add3A_767 = arith.addf %convert_element_type3A_496, %add3A_766 : f32
    %broadcast_in_dim3A_768 = vector.broadcast %add3A_767 : f32 to vector<8x2048xf32>
    %select_n3A_769 = arith.select %lt3A_764, %broadcast_in_dim3A_768, %select_n3A_762 : vector<8x2048xi1>, vector<8x2048xf32>
    %slice3A_770 = vector.extract_strided_slice %add3A_492 {offsets = [312, 0], sizes = [8, 2048], strides = [1, 1]} : vector<512x2048xf32> to vector<8x2048xf32>
    %lt3A_771 = arith.cmpf olt, %slice3A_770, %select_n3A_765 : vector<8x2048xf32>
    %select_n3A_772 = arith.select %lt3A_771, %slice3A_770, %select_n3A_765 : vector<8x2048xi1>, vector<8x2048xf32>
    %add3A_773 = arith.constant 3.900000e+01 : f32
    %add3A_774 = arith.addf %convert_element_type3A_496, %add3A_773 : f32
    %broadcast_in_dim3A_775 = vector.broadcast %add3A_774 : f32 to vector<8x2048xf32>
    %select_n3A_776 = arith.select %lt3A_771, %broadcast_in_dim3A_775, %select_n3A_769 : vector<8x2048xi1>, vector<8x2048xf32>
    %slice3A_777 = vector.extract_strided_slice %add3A_492 {offsets = [320, 0], sizes = [8, 2048], strides = [1, 1]} : vector<512x2048xf32> to vector<8x2048xf32>
    %lt3A_778 = arith.cmpf olt, %slice3A_777, %select_n3A_772 : vector<8x2048xf32>
    %select_n3A_779 = arith.select %lt3A_778, %slice3A_777, %select_n3A_772 : vector<8x2048xi1>, vector<8x2048xf32>
    %add3A_780 = arith.constant 4.000000e+01 : f32
    %add3A_781 = arith.addf %convert_element_type3A_496, %add3A_780 : f32
    %broadcast_in_dim3A_782 = vector.broadcast %add3A_781 : f32 to vector<8x2048xf32>
    %select_n3A_783 = arith.select %lt3A_778, %broadcast_in_dim3A_782, %select_n3A_776 : vector<8x2048xi1>, vector<8x2048xf32>
    %slice3A_784 = vector.extract_strided_slice %add3A_492 {offsets = [328, 0], sizes = [8, 2048], strides = [1, 1]} : vector<512x2048xf32> to vector<8x2048xf32>
    %lt3A_785 = arith.cmpf olt, %slice3A_784, %select_n3A_779 : vector<8x2048xf32>
    %select_n3A_786 = arith.select %lt3A_785, %slice3A_784, %select_n3A_779 : vector<8x2048xi1>, vector<8x2048xf32>
    %add3A_787 = arith.constant 4.100000e+01 : f32
    %add3A_788 = arith.addf %convert_element_type3A_496, %add3A_787 : f32
    %broadcast_in_dim3A_789 = vector.broadcast %add3A_788 : f32 to vector<8x2048xf32>
    %select_n3A_790 = arith.select %lt3A_785, %broadcast_in_dim3A_789, %select_n3A_783 : vector<8x2048xi1>, vector<8x2048xf32>
    %slice3A_791 = vector.extract_strided_slice %add3A_492 {offsets = [336, 0], sizes = [8, 2048], strides = [1, 1]} : vector<512x2048xf32> to vector<8x2048xf32>
    %lt3A_792 = arith.cmpf olt, %slice3A_791, %select_n3A_786 : vector<8x2048xf32>
    %select_n3A_793 = arith.select %lt3A_792, %slice3A_791, %select_n3A_786 : vector<8x2048xi1>, vector<8x2048xf32>
    %add3A_794 = arith.constant 4.200000e+01 : f32
    %add3A_795 = arith.addf %convert_element_type3A_496, %add3A_794 : f32
    %broadcast_in_dim3A_796 = vector.broadcast %add3A_795 : f32 to vector<8x2048xf32>
    %select_n3A_797 = arith.select %lt3A_792, %broadcast_in_dim3A_796, %select_n3A_790 : vector<8x2048xi1>, vector<8x2048xf32>
    %slice3A_798 = vector.extract_strided_slice %add3A_492 {offsets = [344, 0], sizes = [8, 2048], strides = [1, 1]} : vector<512x2048xf32> to vector<8x2048xf32>
    %lt3A_799 = arith.cmpf olt, %slice3A_798, %select_n3A_793 : vector<8x2048xf32>
    %select_n3A_800 = arith.select %lt3A_799, %slice3A_798, %select_n3A_793 : vector<8x2048xi1>, vector<8x2048xf32>
    %add3A_801 = arith.constant 4.300000e+01 : f32
    %add3A_802 = arith.addf %convert_element_type3A_496, %add3A_801 : f32
    %broadcast_in_dim3A_803 = vector.broadcast %add3A_802 : f32 to vector<8x2048xf32>
    %select_n3A_804 = arith.select %lt3A_799, %broadcast_in_dim3A_803, %select_n3A_797 : vector<8x2048xi1>, vector<8x2048xf32>
    %slice3A_805 = vector.extract_strided_slice %add3A_492 {offsets = [352, 0], sizes = [8, 2048], strides = [1, 1]} : vector<512x2048xf32> to vector<8x2048xf32>
    %lt3A_806 = arith.cmpf olt, %slice3A_805, %select_n3A_800 : vector<8x2048xf32>
    %select_n3A_807 = arith.select %lt3A_806, %slice3A_805, %select_n3A_800 : vector<8x2048xi1>, vector<8x2048xf32>
    %add3A_808 = arith.constant 4.400000e+01 : f32
    %add3A_809 = arith.addf %convert_element_type3A_496, %add3A_808 : f32
    %broadcast_in_dim3A_810 = vector.broadcast %add3A_809 : f32 to vector<8x2048xf32>
    %select_n3A_811 = arith.select %lt3A_806, %broadcast_in_dim3A_810, %select_n3A_804 : vector<8x2048xi1>, vector<8x2048xf32>
    %slice3A_812 = vector.extract_strided_slice %add3A_492 {offsets = [360, 0], sizes = [8, 2048], strides = [1, 1]} : vector<512x2048xf32> to vector<8x2048xf32>
    %lt3A_813 = arith.cmpf olt, %slice3A_812, %select_n3A_807 : vector<8x2048xf32>
    %select_n3A_814 = arith.select %lt3A_813, %slice3A_812, %select_n3A_807 : vector<8x2048xi1>, vector<8x2048xf32>
    %add3A_815 = arith.constant 4.500000e+01 : f32
    %add3A_816 = arith.addf %convert_element_type3A_496, %add3A_815 : f32
    %broadcast_in_dim3A_817 = vector.broadcast %add3A_816 : f32 to vector<8x2048xf32>
    %select_n3A_818 = arith.select %lt3A_813, %broadcast_in_dim3A_817, %select_n3A_811 : vector<8x2048xi1>, vector<8x2048xf32>
    %slice3A_819 = vector.extract_strided_slice %add3A_492 {offsets = [368, 0], sizes = [8, 2048], strides = [1, 1]} : vector<512x2048xf32> to vector<8x2048xf32>
    %lt3A_820 = arith.cmpf olt, %slice3A_819, %select_n3A_814 : vector<8x2048xf32>
    %select_n3A_821 = arith.select %lt3A_820, %slice3A_819, %select_n3A_814 : vector<8x2048xi1>, vector<8x2048xf32>
    %add3A_822 = arith.constant 4.600000e+01 : f32
    %add3A_823 = arith.addf %convert_element_type3A_496, %add3A_822 : f32
    %broadcast_in_dim3A_824 = vector.broadcast %add3A_823 : f32 to vector<8x2048xf32>
    %select_n3A_825 = arith.select %lt3A_820, %broadcast_in_dim3A_824, %select_n3A_818 : vector<8x2048xi1>, vector<8x2048xf32>
    %slice3A_826 = vector.extract_strided_slice %add3A_492 {offsets = [376, 0], sizes = [8, 2048], strides = [1, 1]} : vector<512x2048xf32> to vector<8x2048xf32>
    %lt3A_827 = arith.cmpf olt, %slice3A_826, %select_n3A_821 : vector<8x2048xf32>
    %select_n3A_828 = arith.select %lt3A_827, %slice3A_826, %select_n3A_821 : vector<8x2048xi1>, vector<8x2048xf32>
    %add3A_829 = arith.constant 4.700000e+01 : f32
    %add3A_830 = arith.addf %convert_element_type3A_496, %add3A_829 : f32
    %broadcast_in_dim3A_831 = vector.broadcast %add3A_830 : f32 to vector<8x2048xf32>
    %select_n3A_832 = arith.select %lt3A_827, %broadcast_in_dim3A_831, %select_n3A_825 : vector<8x2048xi1>, vector<8x2048xf32>
    %slice3A_833 = vector.extract_strided_slice %add3A_492 {offsets = [384, 0], sizes = [8, 2048], strides = [1, 1]} : vector<512x2048xf32> to vector<8x2048xf32>
    %lt3A_834 = arith.cmpf olt, %slice3A_833, %select_n3A_828 : vector<8x2048xf32>
    %select_n3A_835 = arith.select %lt3A_834, %slice3A_833, %select_n3A_828 : vector<8x2048xi1>, vector<8x2048xf32>
    %add3A_836 = arith.constant 4.800000e+01 : f32
    %add3A_837 = arith.addf %convert_element_type3A_496, %add3A_836 : f32
    %broadcast_in_dim3A_838 = vector.broadcast %add3A_837 : f32 to vector<8x2048xf32>
    %select_n3A_839 = arith.select %lt3A_834, %broadcast_in_dim3A_838, %select_n3A_832 : vector<8x2048xi1>, vector<8x2048xf32>
    %slice3A_840 = vector.extract_strided_slice %add3A_492 {offsets = [392, 0], sizes = [8, 2048], strides = [1, 1]} : vector<512x2048xf32> to vector<8x2048xf32>
    %lt3A_841 = arith.cmpf olt, %slice3A_840, %select_n3A_835 : vector<8x2048xf32>
    %select_n3A_842 = arith.select %lt3A_841, %slice3A_840, %select_n3A_835 : vector<8x2048xi1>, vector<8x2048xf32>
    %add3A_843 = arith.constant 4.900000e+01 : f32
    %add3A_844 = arith.addf %convert_element_type3A_496, %add3A_843 : f32
    %broadcast_in_dim3A_845 = vector.broadcast %add3A_844 : f32 to vector<8x2048xf32>
    %select_n3A_846 = arith.select %lt3A_841, %broadcast_in_dim3A_845, %select_n3A_839 : vector<8x2048xi1>, vector<8x2048xf32>
    %slice3A_847 = vector.extract_strided_slice %add3A_492 {offsets = [400, 0], sizes = [8, 2048], strides = [1, 1]} : vector<512x2048xf32> to vector<8x2048xf32>
    %lt3A_848 = arith.cmpf olt, %slice3A_847, %select_n3A_842 : vector<8x2048xf32>
    %select_n3A_849 = arith.select %lt3A_848, %slice3A_847, %select_n3A_842 : vector<8x2048xi1>, vector<8x2048xf32>
    %add3A_850 = arith.constant 5.000000e+01 : f32
    %add3A_851 = arith.addf %convert_element_type3A_496, %add3A_850 : f32
    %broadcast_in_dim3A_852 = vector.broadcast %add3A_851 : f32 to vector<8x2048xf32>
    %select_n3A_853 = arith.select %lt3A_848, %broadcast_in_dim3A_852, %select_n3A_846 : vector<8x2048xi1>, vector<8x2048xf32>
    %slice3A_854 = vector.extract_strided_slice %add3A_492 {offsets = [408, 0], sizes = [8, 2048], strides = [1, 1]} : vector<512x2048xf32> to vector<8x2048xf32>
    %lt3A_855 = arith.cmpf olt, %slice3A_854, %select_n3A_849 : vector<8x2048xf32>
    %select_n3A_856 = arith.select %lt3A_855, %slice3A_854, %select_n3A_849 : vector<8x2048xi1>, vector<8x2048xf32>
    %add3A_857 = arith.constant 5.100000e+01 : f32
    %add3A_858 = arith.addf %convert_element_type3A_496, %add3A_857 : f32
    %broadcast_in_dim3A_859 = vector.broadcast %add3A_858 : f32 to vector<8x2048xf32>
    %select_n3A_860 = arith.select %lt3A_855, %broadcast_in_dim3A_859, %select_n3A_853 : vector<8x2048xi1>, vector<8x2048xf32>
    %slice3A_861 = vector.extract_strided_slice %add3A_492 {offsets = [416, 0], sizes = [8, 2048], strides = [1, 1]} : vector<512x2048xf32> to vector<8x2048xf32>
    %lt3A_862 = arith.cmpf olt, %slice3A_861, %select_n3A_856 : vector<8x2048xf32>
    %select_n3A_863 = arith.select %lt3A_862, %slice3A_861, %select_n3A_856 : vector<8x2048xi1>, vector<8x2048xf32>
    %add3A_864 = arith.constant 5.200000e+01 : f32
    %add3A_865 = arith.addf %convert_element_type3A_496, %add3A_864 : f32
    %broadcast_in_dim3A_866 = vector.broadcast %add3A_865 : f32 to vector<8x2048xf32>
    %select_n3A_867 = arith.select %lt3A_862, %broadcast_in_dim3A_866, %select_n3A_860 : vector<8x2048xi1>, vector<8x2048xf32>
    %slice3A_868 = vector.extract_strided_slice %add3A_492 {offsets = [424, 0], sizes = [8, 2048], strides = [1, 1]} : vector<512x2048xf32> to vector<8x2048xf32>
    %lt3A_869 = arith.cmpf olt, %slice3A_868, %select_n3A_863 : vector<8x2048xf32>
    %select_n3A_870 = arith.select %lt3A_869, %slice3A_868, %select_n3A_863 : vector<8x2048xi1>, vector<8x2048xf32>
    %add3A_871 = arith.constant 5.300000e+01 : f32
    %add3A_872 = arith.addf %convert_element_type3A_496, %add3A_871 : f32
    %broadcast_in_dim3A_873 = vector.broadcast %add3A_872 : f32 to vector<8x2048xf32>
    %select_n3A_874 = arith.select %lt3A_869, %broadcast_in_dim3A_873, %select_n3A_867 : vector<8x2048xi1>, vector<8x2048xf32>
    %slice3A_875 = vector.extract_strided_slice %add3A_492 {offsets = [432, 0], sizes = [8, 2048], strides = [1, 1]} : vector<512x2048xf32> to vector<8x2048xf32>
    %lt3A_876 = arith.cmpf olt, %slice3A_875, %select_n3A_870 : vector<8x2048xf32>
    %select_n3A_877 = arith.select %lt3A_876, %slice3A_875, %select_n3A_870 : vector<8x2048xi1>, vector<8x2048xf32>
    %add3A_878 = arith.constant 5.400000e+01 : f32
    %add3A_879 = arith.addf %convert_element_type3A_496, %add3A_878 : f32
    %broadcast_in_dim3A_880 = vector.broadcast %add3A_879 : f32 to vector<8x2048xf32>
    %select_n3A_881 = arith.select %lt3A_876, %broadcast_in_dim3A_880, %select_n3A_874 : vector<8x2048xi1>, vector<8x2048xf32>
    %slice3A_882 = vector.extract_strided_slice %add3A_492 {offsets = [440, 0], sizes = [8, 2048], strides = [1, 1]} : vector<512x2048xf32> to vector<8x2048xf32>
    %lt3A_883 = arith.cmpf olt, %slice3A_882, %select_n3A_877 : vector<8x2048xf32>
    %select_n3A_884 = arith.select %lt3A_883, %slice3A_882, %select_n3A_877 : vector<8x2048xi1>, vector<8x2048xf32>
    %add3A_885 = arith.constant 5.500000e+01 : f32
    %add3A_886 = arith.addf %convert_element_type3A_496, %add3A_885 : f32
    %broadcast_in_dim3A_887 = vector.broadcast %add3A_886 : f32 to vector<8x2048xf32>
    %select_n3A_888 = arith.select %lt3A_883, %broadcast_in_dim3A_887, %select_n3A_881 : vector<8x2048xi1>, vector<8x2048xf32>
    %slice3A_889 = vector.extract_strided_slice %add3A_492 {offsets = [448, 0], sizes = [8, 2048], strides = [1, 1]} : vector<512x2048xf32> to vector<8x2048xf32>
    %lt3A_890 = arith.cmpf olt, %slice3A_889, %select_n3A_884 : vector<8x2048xf32>
    %select_n3A_891 = arith.select %lt3A_890, %slice3A_889, %select_n3A_884 : vector<8x2048xi1>, vector<8x2048xf32>
    %add3A_892 = arith.constant 5.600000e+01 : f32
    %add3A_893 = arith.addf %convert_element_type3A_496, %add3A_892 : f32
    %broadcast_in_dim3A_894 = vector.broadcast %add3A_893 : f32 to vector<8x2048xf32>
    %select_n3A_895 = arith.select %lt3A_890, %broadcast_in_dim3A_894, %select_n3A_888 : vector<8x2048xi1>, vector<8x2048xf32>
    %slice3A_896 = vector.extract_strided_slice %add3A_492 {offsets = [456, 0], sizes = [8, 2048], strides = [1, 1]} : vector<512x2048xf32> to vector<8x2048xf32>
    %lt3A_897 = arith.cmpf olt, %slice3A_896, %select_n3A_891 : vector<8x2048xf32>
    %select_n3A_898 = arith.select %lt3A_897, %slice3A_896, %select_n3A_891 : vector<8x2048xi1>, vector<8x2048xf32>
    %add3A_899 = arith.constant 5.700000e+01 : f32
    %add3A_900 = arith.addf %convert_element_type3A_496, %add3A_899 : f32
    %broadcast_in_dim3A_901 = vector.broadcast %add3A_900 : f32 to vector<8x2048xf32>
    %select_n3A_902 = arith.select %lt3A_897, %broadcast_in_dim3A_901, %select_n3A_895 : vector<8x2048xi1>, vector<8x2048xf32>
    %slice3A_903 = vector.extract_strided_slice %add3A_492 {offsets = [464, 0], sizes = [8, 2048], strides = [1, 1]} : vector<512x2048xf32> to vector<8x2048xf32>
    %lt3A_904 = arith.cmpf olt, %slice3A_903, %select_n3A_898 : vector<8x2048xf32>
    %select_n3A_905 = arith.select %lt3A_904, %slice3A_903, %select_n3A_898 : vector<8x2048xi1>, vector<8x2048xf32>
    %add3A_906 = arith.constant 5.800000e+01 : f32
    %add3A_907 = arith.addf %convert_element_type3A_496, %add3A_906 : f32
    %broadcast_in_dim3A_908 = vector.broadcast %add3A_907 : f32 to vector<8x2048xf32>
    %select_n3A_909 = arith.select %lt3A_904, %broadcast_in_dim3A_908, %select_n3A_902 : vector<8x2048xi1>, vector<8x2048xf32>
    %slice3A_910 = vector.extract_strided_slice %add3A_492 {offsets = [472, 0], sizes = [8, 2048], strides = [1, 1]} : vector<512x2048xf32> to vector<8x2048xf32>
    %lt3A_911 = arith.cmpf olt, %slice3A_910, %select_n3A_905 : vector<8x2048xf32>
    %select_n3A_912 = arith.select %lt3A_911, %slice3A_910, %select_n3A_905 : vector<8x2048xi1>, vector<8x2048xf32>
    %add3A_913 = arith.constant 5.900000e+01 : f32
    %add3A_914 = arith.addf %convert_element_type3A_496, %add3A_913 : f32
    %broadcast_in_dim3A_915 = vector.broadcast %add3A_914 : f32 to vector<8x2048xf32>
    %select_n3A_916 = arith.select %lt3A_911, %broadcast_in_dim3A_915, %select_n3A_909 : vector<8x2048xi1>, vector<8x2048xf32>
    %slice3A_917 = vector.extract_strided_slice %add3A_492 {offsets = [480, 0], sizes = [8, 2048], strides = [1, 1]} : vector<512x2048xf32> to vector<8x2048xf32>
    %lt3A_918 = arith.cmpf olt, %slice3A_917, %select_n3A_912 : vector<8x2048xf32>
    %select_n3A_919 = arith.select %lt3A_918, %slice3A_917, %select_n3A_912 : vector<8x2048xi1>, vector<8x2048xf32>
    %add3A_920 = arith.constant 6.000000e+01 : f32
    %add3A_921 = arith.addf %convert_element_type3A_496, %add3A_920 : f32
    %broadcast_in_dim3A_922 = vector.broadcast %add3A_921 : f32 to vector<8x2048xf32>
    %select_n3A_923 = arith.select %lt3A_918, %broadcast_in_dim3A_922, %select_n3A_916 : vector<8x2048xi1>, vector<8x2048xf32>
    %slice3A_924 = vector.extract_strided_slice %add3A_492 {offsets = [488, 0], sizes = [8, 2048], strides = [1, 1]} : vector<512x2048xf32> to vector<8x2048xf32>
    %lt3A_925 = arith.cmpf olt, %slice3A_924, %select_n3A_919 : vector<8x2048xf32>
    %select_n3A_926 = arith.select %lt3A_925, %slice3A_924, %select_n3A_919 : vector<8x2048xi1>, vector<8x2048xf32>
    %add3A_927 = arith.constant 6.100000e+01 : f32
    %add3A_928 = arith.addf %convert_element_type3A_496, %add3A_927 : f32
    %broadcast_in_dim3A_929 = vector.broadcast %add3A_928 : f32 to vector<8x2048xf32>
    %select_n3A_930 = arith.select %lt3A_925, %broadcast_in_dim3A_929, %select_n3A_923 : vector<8x2048xi1>, vector<8x2048xf32>
    %slice3A_931 = vector.extract_strided_slice %add3A_492 {offsets = [496, 0], sizes = [8, 2048], strides = [1, 1]} : vector<512x2048xf32> to vector<8x2048xf32>
    %lt3A_932 = arith.cmpf olt, %slice3A_931, %select_n3A_926 : vector<8x2048xf32>
    %select_n3A_933 = arith.select %lt3A_932, %slice3A_931, %select_n3A_926 : vector<8x2048xi1>, vector<8x2048xf32>
    %add3A_934 = arith.constant 6.200000e+01 : f32
    %add3A_935 = arith.addf %convert_element_type3A_496, %add3A_934 : f32
    %broadcast_in_dim3A_936 = vector.broadcast %add3A_935 : f32 to vector<8x2048xf32>
    %select_n3A_937 = arith.select %lt3A_932, %broadcast_in_dim3A_936, %select_n3A_930 : vector<8x2048xi1>, vector<8x2048xf32>
    %slice3A_938 = vector.extract_strided_slice %add3A_492 {offsets = [504, 0], sizes = [8, 2048], strides = [1, 1]} : vector<512x2048xf32> to vector<8x2048xf32>
    %lt3A_939 = arith.cmpf olt, %slice3A_938, %select_n3A_933 : vector<8x2048xf32>
    %select_n3A_940 = arith.select %lt3A_939, %slice3A_938, %select_n3A_933 : vector<8x2048xi1>, vector<8x2048xf32>
    %add3A_941 = arith.constant 6.300000e+01 : f32
    %add3A_942 = arith.addf %convert_element_type3A_496, %add3A_941 : f32
    %broadcast_in_dim3A_943 = vector.broadcast %add3A_942 : f32 to vector<8x2048xf32>
    %select_n3A_944 = arith.select %lt3A_939, %broadcast_in_dim3A_943, %select_n3A_937 : vector<8x2048xi1>, vector<8x2048xf32>
    %mul3A_945 = arith.constant 8.000000e+00 : f32
    %mul3A_946 = vector.broadcast %mul3A_945 : f32 to vector<8x2048xf32>
    %mul3A_947 = arith.mulf %select_n3A_944, %mul3A_946 : vector<8x2048xf32>
    %add3A_948 = arith.addf %mul3A_947, %convert_element_type3A_5 : vector<8x2048xf32>
    %slice3A_949 = vector.extract_strided_slice %select_n3A_940 {offsets = [0, 0], sizes = [4, 2048], strides = [1, 1]} : vector<8x2048xf32> to vector<4x2048xf32>
    %slice3A_950 = vector.extract_strided_slice %select_n3A_940 {offsets = [4, 0], sizes = [4, 2048], strides = [1, 1]} : vector<8x2048xf32> to vector<4x2048xf32>
    %slice3A_951 = vector.extract_strided_slice %add3A_948 {offsets = [0, 0], sizes = [4, 2048], strides = [1, 1]} : vector<8x2048xf32> to vector<4x2048xf32>
    %slice3A_952 = vector.extract_strided_slice %add3A_948 {offsets = [4, 0], sizes = [4, 2048], strides = [1, 1]} : vector<8x2048xf32> to vector<4x2048xf32>
    %lt3A_953 = arith.cmpf olt, %slice3A_950, %slice3A_949 : vector<4x2048xf32>
    %eq3A_954 = arith.cmpf oeq, %slice3A_950, %slice3A_949 : vector<4x2048xf32>
    %lt3A_955 = arith.cmpf olt, %slice3A_952, %slice3A_951 : vector<4x2048xf32>
    %and3A = arith.andi %eq3A_954, %lt3A_955 : vector<4x2048xi1>
    %or3A = arith.ori %lt3A_953, %and3A : vector<4x2048xi1>
    %select_n3A_956 = arith.select %or3A, %slice3A_950, %slice3A_949 : vector<4x2048xi1>, vector<4x2048xf32>
    %select_n3A_957 = arith.select %or3A, %slice3A_952, %slice3A_951 : vector<4x2048xi1>, vector<4x2048xf32>
    %slice3A_958 = vector.extract_strided_slice %select_n3A_956 {offsets = [0, 0], sizes = [2, 2048], strides = [1, 1]} : vector<4x2048xf32> to vector<2x2048xf32>
    %slice3A_959 = vector.extract_strided_slice %select_n3A_956 {offsets = [2, 0], sizes = [2, 2048], strides = [1, 1]} : vector<4x2048xf32> to vector<2x2048xf32>
    %slice3A_960 = vector.extract_strided_slice %select_n3A_957 {offsets = [0, 0], sizes = [2, 2048], strides = [1, 1]} : vector<4x2048xf32> to vector<2x2048xf32>
    %slice3A_961 = vector.extract_strided_slice %select_n3A_957 {offsets = [2, 0], sizes = [2, 2048], strides = [1, 1]} : vector<4x2048xf32> to vector<2x2048xf32>
    %lt3A_962 = arith.cmpf olt, %slice3A_959, %slice3A_958 : vector<2x2048xf32>
    %eq3A_963 = arith.cmpf oeq, %slice3A_959, %slice3A_958 : vector<2x2048xf32>
    %lt3A_964 = arith.cmpf olt, %slice3A_961, %slice3A_960 : vector<2x2048xf32>
    %and3A_965 = arith.andi %eq3A_963, %lt3A_964 : vector<2x2048xi1>
    %or3A_966 = arith.ori %lt3A_962, %and3A_965 : vector<2x2048xi1>
    %select_n3A_967 = arith.select %or3A_966, %slice3A_959, %slice3A_958 : vector<2x2048xi1>, vector<2x2048xf32>
    %select_n3A_968 = arith.select %or3A_966, %slice3A_961, %slice3A_960 : vector<2x2048xi1>, vector<2x2048xf32>
    %slice3A_969 = vector.extract_strided_slice %select_n3A_967 {offsets = [0, 0], sizes = [1, 2048], strides = [1, 1]} : vector<2x2048xf32> to vector<1x2048xf32>
    %slice3A_970 = vector.extract_strided_slice %select_n3A_967 {offsets = [1, 0], sizes = [1, 2048], strides = [1, 1]} : vector<2x2048xf32> to vector<1x2048xf32>
    %slice3A_971 = vector.extract_strided_slice %select_n3A_968 {offsets = [0, 0], sizes = [1, 2048], strides = [1, 1]} : vector<2x2048xf32> to vector<1x2048xf32>
    %slice3A_972 = vector.extract_strided_slice %select_n3A_968 {offsets = [1, 0], sizes = [1, 2048], strides = [1, 1]} : vector<2x2048xf32> to vector<1x2048xf32>
    %lt3A_973 = arith.cmpf olt, %slice3A_970, %slice3A_969 : vector<1x2048xf32>
    %eq3A_974 = arith.cmpf oeq, %slice3A_970, %slice3A_969 : vector<1x2048xf32>
    %lt3A_975 = arith.cmpf olt, %slice3A_972, %slice3A_971 : vector<1x2048xf32>
    %and3A_976 = arith.andi %eq3A_974, %lt3A_975 : vector<1x2048xi1>
    %or3A_977 = arith.ori %lt3A_973, %and3A_976 : vector<1x2048xi1>
    %select_n3A_978 = arith.select %or3A_977, %slice3A_970, %slice3A_969 : vector<1x2048xi1>, vector<1x2048xf32>
    %select_n3A_979 = arith.select %or3A_977, %slice3A_972, %slice3A_971 : vector<1x2048xi1>, vector<1x2048xf32>
    %squeeze3A = vector.shape_cast %select_n3A_979 : vector<1x2048xf32> to vector<2048xf32>
    %convert_element_type3A_980 = arith.fptosi %squeeze3A : vector<2048xf32> to vector<2048xi32>
    %swap3A = arith.constant 0 : index
    %swap3A_981 = arith.constant 0 : index
    %swap3A_982 = arith.constant 0 : index
    %swap3A_983 = vector.load %arg3[%swap3A, %swap3A_981, %swap3A_982] : memref<1x1x2048xi32, #tpu.memory_space<vmem>>, vector<1x1x2048xi32>
    %swap3A_984 = vector.shape_cast %swap3A_983 : vector<1x1x2048xi32> to vector<2048xi32>
    %swap3A_985 = vector.shape_cast %convert_element_type3A_980 : vector<2048xi32> to vector<1x1x2048xi32>
    tpu.vector_store %arg3[%swap3A, %swap3A_981, %swap3A_982], %swap3A_985 {strides = array<i32>} : memref<1x1x2048xi32, #tpu.memory_space<vmem>>, vector<1x1x2048xi32>,
    %eq3A_986 = arith.constant 0 : i32
    %eq3A_987 = arith.cmpi eq, %arg0, %eq3A_986 : i32
    %convert_element_type3A_988 = arith.extui %eq3A_987 : i1 to i32
    %cond3A_989 = arith.constant 0 : i32
    %cond3A_990 = arith.cmpi ne, %convert_element_type3A_988, %cond3A_989 : i32
    scf.if %cond3A_990 {
      %swap3A_1009 = arith.constant 0.000000e+00 : f32
      %swap3A_1010 = arith.constant 0 : index
      %swap3A_1011 = arith.constant 0 : index
      %swap3A_1012 = memref.load %arg4[%swap3A_1010, %swap3A_1011] : memref<1x1xf32, #tpu.memory_space<smem>>
      memref.store %swap3A_1009, %arg4[%swap3A_1010, %swap3A_1011] : memref<1x1xf32, #tpu.memory_space<smem>>
    } else {
    }
    %get3A_991 = arith.constant 0 : index
    %get3A_992 = arith.constant 0 : index
    %get3A_993 = memref.load %arg4[%get3A_991, %get3A_992] : memref<1x1xf32, #tpu.memory_space<smem>>
    %squeeze3A_994 = vector.shape_cast %select_n3A_978 : vector<1x2048xf32> to vector<2048xf32>
    %reduce_sum3A_995 = vector.shape_cast %squeeze3A_994 : vector<2048xf32> to vector<1x2048xf32>
    %reduce_sum3A_996 = arith.constant dense<0.000000e+00> : vector<1xf32>
    %reduce_sum3A_997 = vector.multi_reduction <add>, %reduce_sum3A_995, %reduce_sum3A_996 [1] : vector<1x2048xf32> to vector<1xf32>
    %reduce_sum3A_998 = vector.shape_cast %reduce_sum3A_997 : vector<1xf32> to vector<1x1xf32>
    %reduce_sum3A_999 = vector.extract %reduce_sum3A_998[0, 0] : f32 from vector<1x1xf32>
    %add3A_1000 = arith.addf %get3A_993, %reduce_sum3A_999 : f32
    %swap3A_1001 = arith.constant 0 : index
    %swap3A_1002 = arith.constant 0 : index
    %swap3A_1003 = memref.load %arg4[%swap3A_1001, %swap3A_1002] : memref<1x1xf32, #tpu.memory_space<smem>>
    memref.store %add3A_1000, %arg4[%swap3A_1001, %swap3A_1002] : memref<1x1xf32, #tpu.memory_space<smem>>
    %eq3A_1004 = arith.constant 7 : i32
    %eq3A_1005 = arith.cmpi eq, %arg0, %eq3A_1004 : i32
    %convert_element_type3A_1006 = arith.extui %eq3A_1005 : i1 to i32
    %cond3A_1007 = arith.constant 0 : i32
    %cond3A_1008 = arith.cmpi ne, %convert_element_type3A_1006, %cond3A_1007 : i32
    scf.if %cond3A_1008 {
      %get3A_1009 = arith.constant 0 : index
      %get3A_1010 = arith.constant 0 : index
      %get3A_1011 = memref.load %arg4[%get3A_1009, %get3A_1010] : memref<1x1xf32, #tpu.memory_space<smem>>
      %mul3A_1012 = arith.constant 2.98023224E-7 : f32
      %mul3A_1013 = arith.mulf %get3A_1011, %mul3A_1012 : f32
      %swap3A_1014 = arith.constant 0 : index
      %swap3A_1015 = arith.constant 0 : index
      %swap3A_1016 = memref.load %arg4[%swap3A_1014, %swap3A_1015] : memref<1x1xf32, #tpu.memory_space<smem>>
      memref.store %mul3A_1013, %arg4[%swap3A_1014, %swap3A_1015] : memref<1x1xf32, #tpu.memory_space<smem>>
    } else {
    }
    return
  }
  func.func @transform_0(%arg0: i32) -> (i32, i32) {
    %c0_i32 = arith.constant 0 : i32
    %c0_i32_0 = arith.constant 0 : i32
    return %arg0, %c0_i32 : i32, i32
  }
  func.func @transform_1(%arg0: i32) -> (i32, i32) {
    %c0_i32 = arith.constant 0 : i32
    %c0_i32_0 = arith.constant 0 : i32
    %c0_i32_1 = arith.constant 0 : i32
    return %c0_i32, %c0_i32_0 : i32, i32
  }
  func.func @transform_2(%arg0: i32) -> (i32, i32, i32) {
    %c0_i32 = arith.constant 0 : i32
    %c0_i32_0 = arith.constant 0 : i32
    %c0_i32_1 = arith.constant 0 : i32
    return %arg0, %c0_i32, %c0_i32_0 : i32, i32, i32
  }
  func.func @transform_3(%arg0: i32) -> (i32, i32) {
    %c0_i32 = arith.constant 0 : i32
    %c0_i32_0 = arith.constant 0 : i32
    %c0_i32_1 = arith.constant 0 : i32
    return %c0_i32, %c0_i32_0 : i32, i32
  }
}

</mosaic_0001>

<sc_bundles>
// kernel: kernel.4.cloned.1.call-start
scs
__scs_entry_jumppad:
0x0: {  	(pc) =	sbr.rel $0x88, $3  }
0x1: {  	(tag) =	ssettag $0x0;
	lr =	simm.s32 $0x1  }
0x2: {  	[smem:$0x3F9F] =	sst lr;
	_ =	strace $0xD0000000  }
0x3: {  	_ = 	snop  }
0x4: {  	_ = 	snop  }
0x5: {  	_ = 	snop  }
0x6: {  	_ = 	snop  }
0x7: {  	_ = 	snop  }
__scs_overlays_trampoline_lowered:
0x8: {  	[smem:$0x3FAE] =	sst s0  }
0x9: {  	[smem:$0x3FAF] =	sst s1  }
0xa: {  	[smem:$0x3FB0] =	sst s2  }
0xb: {  	[smem:$0x3FB1] =	sst s3  }
0xc: {  	[smem:$0x3FB2] =	sst s4  }
0xd: {  	[smem:$0x3FB3] =	sst s5  }
0xe: {  	[smem:$0x3FB4] =	sst s6  }
0xf: {  	[smem:$0x3FB5] =	sst s7  }
0x10: {  	[smem:$0x3FB6] =	sst s8  }
0x11: {  	[smem:$0x3FB7] =	sst s9;
	s0 =	simm.s32 @!p0 $0x0  }
0x12: {  	s1 =	sld [smem:$0x3F9D];
	s0 =	simm.s32 @p0 $0x1  }
0x13: {  	[smem:$0x3FB8] =	sst s0;
	s0 =	simm.s32 @!p1 $0x0  }
0x14: {  	s2 =	sld [smem:$0x3F9C];
	s0 =	simm.s32 @p1 $0x1  }
0x15: {  	[smem:$0x3FB9] =	sst s0;
	s0 =	simm.s32 @!p2 $0x0  }
0x16: {  	s3 =	sld [smem:$0x3FDB];
	s0 =	simm.s32 @p2 $0x1  }
0x17: {  	s4 =	simm.s32 $0x1BF5;
	[smem:$0x3FBB] =	sst s0  }
0x18: {  	s0 =	sld [smem:$0x3F9E];
	_ =	swait.ge [sflag:s4], $0x0  }
0x19: {  	s7 =	sld [smem:$0x3F9F]  }
0x1a: {  	s8 =	sadd.s32 $0xFFFFE003, lr  }
0x1b: {  	s9 =	sadd.s32 $0xFFFFFEF7, lr;
	s5 =	simm.s32 $0xFFFFFFFF;
	p2 =	slt.u32 s8, $0xFFFFF086  }
0x1c: {  	p1 =	slt.u32 s9, $0xF7A;
	s5 =	simm.s32 @!p2 $0x0  }
0x1d: {  	s5 =	simm.s32 @p1 $0x1;
	p0 =	seq.s32 s7, s2  }
0x1e: {  	s7 =	smul.u32 @!p0 $0xF7A, s2;
	p2 =	seq.s32 @!p0 s5, $0x0  }
0x1f: {  	s9 =	smul.u32 $0xF7A, s1;
	s8 =	simm.s32 @!p0 $0x1BF5;
	p2 =	por !p2, p0  }
0x20: {  	[sflag:s8] =	ssyncset.s32 @!p0 $0xFFFFF086;
	s6 =	sadd.s32 @!p0 s3, s7;
	s7 =	simm.s32 @!p0 $0x108  }
0x21: {  	s3 =	sadd.s32 s3, s9;
	s6 =	sadd.s32 @!p0 $0x88, s6;
	s7 =	simm.s32 @p2 $0x1082  }
0x22: {  	[simem:s7], [sflag:s8] =	dma.local @!p0 [hbm:s6], $0xF7A  }
0x23: {  	s9 =	sor.u32 $0xD0000000, s2;
	s6 =	simm.s32 $0x108;
	_ =	swait.ge @!p0 [sflag:s8], $0x0  }
0x24: {  	s3 =	sadd.s32 $0x88, s3;
	s6 =	simm.s32 @!p1 $0x1082;
	[sflag:s4] =	ssyncset.s32 $0xFFFFF086  }
0x25: {  	[simem:s6], [sflag:s4] =	dma.local [hbm:s3], $0xF7A  }
0x26: {  	[smem:$0x3F9F] =	sst s1;
	(tag) =	ssettag s2;
	_ =	strace s9  }
0x27: {  	s1 =	sld [smem:$0x3FAF]  }
0x28: {  	s2 =	sld [smem:$0x3FB0]  }
0x29: {  	s4 =	sld [smem:$0x3FB2]  }
0x2a: {  	p0 =	seq.s32 s5, $0x0;
	s5 =	sld [smem:$0x3FB3]  }
0x2b: {  	s6 =	sld [smem:$0x3FB4]  }
0x2c: {  	s7 =	sld [smem:$0x3FB5]  }
0x2d: {  	s3 =	simm.s32 $0x108;
	s8 =	sld [smem:$0x3FB6]  }
0x2e: {  	s3 =	simm.s32 @!p0 $0x1082;
	s9 =	sld [smem:$0x3FB7]  }
0x2f: {  	lr =	sadd.s32 s0, s3;
	s0 =	sld [smem:$0x3FAE]  }
0x30: {  	s3 =	sld [smem:$0x3FB1]  }
0x31: {  	[smem:$0x3FBA] =	sst s10  }
0x32: {  	s10 =	sld [smem:$0x3FB8];
	_ =	sdelay $0x3  }
0x33: {  	p0 =	seq.s32 s10, $0x1;
	s10 =	sld [smem:$0x3FBA];
	_ =	sdelay $0x3  }
0x34: {  	[smem:$0x3FBA] =	sst s10  }
0x35: {  	s10 =	sld [smem:$0x3FB9];
	_ =	sdelay $0x3  }
0x36: {  	p1 =	seq.s32 s10, $0x1;
	s10 =	sld [smem:$0x3FBA];
	_ =	sdelay $0x3  }
0x37: {  	[smem:$0x3FBA] =	sst s10  }
0x38: {  	s10 =	sld [smem:$0x3FBB]  }
0x39: {  	_ = 	snop;
	(pc) =	sbr.ind lr, $3  }
0x3a: {  	_ = 	snop  }
0x3b: {  	_ = 	snop  }
0x3c: {  	p2 =	seq.s32 s10, $0x1;
	s10 =	sld [smem:$0x3FBA]  }
0x3d: {  	_ =	shalt  }
0x3e: {  	_ =	shalt  }
0x3f: {  	_ =	shalt  }
0x40: {  	_ =	shalt  }
0x41: {  	_ =	shalt  }
0x42: {  	_ =	shalt  }
0x43: {  	_ =	shalt  }
0x44: {  	_ =	shalt  }
0x45: {  	_ =	shalt  }
0x46: {  	_ =	shalt  }
0x47: {  	_ =	shalt  }
0x48: {  	_ =	shalt  }
0x49: {  	_ =	shalt  }
0x4a: {  	_ =	shalt  }
0x4b: {  	_ =	shalt  }
0x4c: {  	_ =	shalt  }
0x4d: {  	_ =	shalt  }
0x4e: {  	_ =	shalt  }
0x4f: {  	_ =	shalt  }
0x50: {  	_ =	shalt  }
0x51: {  	_ =	shalt  }
0x52: {  	_ =	shalt  }
0x53: {  	_ =	shalt  }
0x54: {  	_ =	shalt  }
0x55: {  	_ =	shalt  }
0x56: {  	_ =	shalt  }
0x57: {  	_ =	shalt  }
0x58: {  	_ =	shalt  }
0x59: {  	_ =	shalt  }
0x5a: {  	_ =	shalt  }
0x5b: {  	_ =	shalt  }
0x5c: {  	_ =	shalt  }
0x5d: {  	_ =	shalt  }
0x5e: {  	_ =	shalt  }
0x5f: {  	_ =	shalt  }
0x60: {  	_ =	shalt  }
0x61: {  	_ =	shalt  }
0x62: {  	_ =	shalt  }
0x63: {  	_ =	shalt  }
0x64: {  	_ =	shalt  }
0x65: {  	_ =	shalt  }
0x66: {  	_ =	shalt  }
0x67: {  	_ =	shalt  }
0x68: {  	_ =	shalt  }
0x69: {  	_ =	shalt  }
0x6a: {  	_ =	shalt  }
0x6b: {  	_ =	shalt  }
0x6c: {  	_ =	shalt  }
0x6d: {  	_ =	shalt  }
0x6e: {  	_ =	shalt  }
0x6f: {  	_ =	shalt  }
0x70: {  	_ =	shalt  }
0x71: {  	_ =	shalt  }
0x72: {  	_ =	shalt  }
0x73: {  	_ =	shalt  }
0x74: {  	_ =	shalt  }
0x75: {  	_ =	shalt  }
0x76: {  	_ =	shalt  }
0x77: {  	_ =	shalt  }
0x78: {  	_ =	shalt  }
0x79: {  	_ =	shalt  }
0x7a: {  	_ =	shalt  }
0x7b: {  	_ =	shalt  }
0x7c: {  	_ =	shalt  }
0x7d: {  	_ =	shalt  }
0x7e: {  	_ =	shalt  }
0x7f: {  	_ =	shalt  }
0x80: {  	_ =	shalt  }
0x81: {  	_ =	shalt  }
0x82: {  	_ =	shalt  }
0x83: {  	_ =	shalt  }
0x84: {  	_ =	shalt  }
0x85: {  	_ =	shalt  }
0x86: {  	_ =	shalt  }
0x87: {  	_ =	shalt  }
.Lfunc_end0:
.L_simem_size_0:
called_computation_lowered:
.L_overlay_start_0:
0x88: {  	s2 =	sld [smem:$0x3FD9]  }
0x89: {  	s3 =	sld [smem:$0x3FFE];
	_ =	sdelay $0x1  }
0x8a: {  	s1 =	srdreg.scid  }
0x8b: {  	s0 =	sand.u32 $0x1, s1  }
0x8c: {  	s15 =	sshll.u32 s0, $0xA;
	s2 =	sadd.s32 s3, s2  }
0x8d: {  	s2 =	sadd.s32 s2, s15  }
0x8e: {  	[smem:$0x3FC6] =	sst s2  }
0x8f: {  	_ = 	snop  }
0x90: {  	s2 =	sld [smem:$0x3FD0];
	_ =	sdelay $0x2  }
0x91: {  	s4 =	simm.s32 $0xA;
	s5 =	simm.s32 $0x10;
	s16 =	sld [smem:$0x3FC8]  }
0x92: {  	[smem:s5], [sflag:s4] =	dma.local [hbm:s2], $0x1  }
0x93: {  	_ =	swait.eq [sflag:s4], $0x1  }
0x94: {  	[sflag:s4] =	ssyncset.done $0x0  }
0x95: {  	s17 =	sld [smem:$0x11];
	[sflag:s4] =	ssyncadd.s32 $0xFFFFFFFF  }
0x96: {  	s18 =	sld [smem:$0x12];
	(tm) =	ssettm $0x1  }
0x97: {  	s19 =	sld [smem:$0x3FFB];
	_ =	sdelay $0x3  }
0x98: {  	_ =	strace s19  }
0x99: {  	s5 =	sld [smem:$0x3FFC];
	_ =	sdelay $0x3  }
0x9a: {  	_ =	strace s5  }
0x9b: {  	s5 =	sld [smem:$0x3FFD];
	_ =	sdelay $0x3  }
0x9c: {  	_ =	strace s5  }
0x9d: {  	_ =	strace $0x8FFFFFFF  }
0x9e: {  	s20 =	sld [smem:$0x3FDB];
	_ =	sdelay $0x1  }
0x9f: {  	s6 =	simm.s32 $_scs_section_size  }
0xa0: {  	s7 =	simm.s32 $_size__tile_overlayer_lowered;
	s8 =	simm.s32 $_tile_overlayer_lowered  }
0xa1: {  	s23 =	simm.s32 $0x1BFF;
	s22 =	sshll.u32 s8, $0x1;
	s5 =	sadd.s32 s6, s20  }
0xa2: {  	s9 =	simm.s32 $0x0;
	s21 =	sshll.u32 s7, $0x1;
	s7 =	sadd.s32 s22, s5  }
0xa3: {  	[timem:s9], [sflag:s23] =	dma.local [hbm:s7], s21  }
0xa4: {  	_ =	swait.ge [sflag:s23], s21  }
0xa5: {  	s6 =	ssub.s32 $0x0, s21;
	[sflag:s23] =	ssyncset.done $0x0  }
0xa6: {  	[sflag:s23] =	ssyncadd.s32 s6;
	_ =	sdelay $0x1  }
0xa7: {  	s24 =	simm.s32 $0x1B8B  }
0xa8: {  	_ =	swait.ge [sflag:s24], $0x1  }
0xa9: {  	[sflag:s24] =	ssyncset.done $0x0  }
0xaa: {  	s25 =	simm.s32 $0x1B8E;
	[sflag:s24] =	ssyncadd.s32 $0xFFFFFFFF  }
0xab: {  	s26 =	simm.s32 $execute0_lowered;
	[smem:$0x3FD2] =	sst s25  }
0xac: {  	s6 =	sshll.u32 s26, $0x1;
	_ =	strace $0x80000046;
	[dreg:$0x1] =	wrdreg $0xFFFFFFFF  }
0xad: {  	s28 =	simm.s32 $_size_execute0_lowered;
	s5 =	sadd.s32 s5, s6;
	[dreg:$0x0] =	wrdreg $0x0  }
0xae: {  	s6 =	sshll.u32 s28, $0x1;
	[dreg:$0x2] =	wrdreg s5  }
0xaf: {  	[dreg:$0x3] =	wrdreg s6  }
0xb0: {  	[dreg:$0x4] =	wrdreg $0xC0  }
0xb1: {  	_ =	task [dreg:s9], $0x5FFFF  }
0xb2: {  	[dreg:$0x1] =	wrdreg $0xFFFFFFFF  }
0xb3: {  	[dreg:$0x0] =	wrdreg $0x60  }
0xb4: {  	[dreg:$0x2] =	wrdreg s16  }
0xb5: {  	[dreg:$0x3] =	wrdreg s18  }
0xb6: {  	[dreg:$0x4] =	wrdreg s17  }
0xb7: {  	[dreg:$0x5] =	wrdreg $0x9  }
0xb8: {  	_ =	task.clear_ibuf [dreg:s9], $0x6FFFF;
	_ =	strace $0x90000046  }
0xb9: {  	s29 =	simm.s32 $0x9;
	_ =	strace $0x80000048  }
0xba: {  	_ =	swait.ge [sflag:s29], $0x1  }
0xbb: {  	[sflag:s29] =	ssyncadd.s32 $0xFFFFFFFF  }
0xbc: {  	_ =	strace $0x90000048  }
0xbd: {  	_ =	sfence  }
0xbe: {  	s30 =	sld [smem:$0x0];
	_ =	sdelay $0x2  }
0xbf: {  	s31 =	sshll.u32 s1, $0xD;
	s1 =	sshrl.u32 s1, $0x2  }
0xc0: {  	s3 =	sand.u32 $0x4000, s31;
	s1 =	sadd.s32 s1, s30  }
0xc1: {  	s0 =	sor.u32 s3, s0;
	s1 =	sshll.u32 s1, $0x11  }
0xc2: {  	s0 =	sor.u32 s1, s0  }
0xc3: {  	s0 =	sadd.s32 $0x8F2B, s0  }
0xc4: {  	[sflag:s0] =	ssyncadd.remote.s32 $0x1  }
0xc5: {  	_ =	sfence.sel $0xFFFF  }
0xc6: {  	[dreg:$0x0] =	wrdreg $0xFFFFFFFF;
	(pc) =	sbr.abs _section_cstart, $3  }
0xc7: {  	[dreg:$0x1] =	wrdreg $0xFFFFFFFF  }
0xc8: {  	_ =	task.clear_ibuf [dreg:s9], $0x2FFFF;
	_ =	strace $0x9FFFFFFF  }
0xc9: {  	(tm) =	ssettm $0x7FFFFFFF  }
tec
execute0_lowered:
.L_overlay_start_1:
0x0: {  	(tag) =	ssettag $0x1  }
0x1: {  	s1 =	rddreg [dreg:$0x0]  }
0x2: {  	s0 =	srdreg.scid;
	s2 =	rddreg [dreg:$0x1]  }
0x3: {  	s3 =	stileid.u32;
	s4 =	rddreg [dreg:$0x2]  }
0x4: {  	s14 =	simm.s32 $0x1;
	s15 =	simm.s32 $0x2;
	s17 =	simm.s32 $0x1200  }
0x5: {  	s18 =	simm.s32 $0x1A00;
	s19 =	simm.s32 $0x2200;
	s20 =	simm.s32 $0x2A00  }
0x6: {  	s21 =	simm.s32 $0x3200;
	s22 =	simm.s32 $0x3A00;
	s28 =	simm.s32 $0x5A00  }
0x7: {  	s29 =	simm.s32 $0x6200;
	s30 =	simm.s32 $0x6A00;
	s31 =	simm.s32 $0x7200  }
0x8: {  	s8 =	simm.s32 $0x9200;
	s9 =	simm.s32 $0x9A00;
	s10 =	simm.s32 $0xA200  }
0x9: {  	s11 =	simm.s32 $0xAA00;
	s13 =	simm.s32 $0xBA00;
	s0 =	sand.u32 $0x1, s0  }
0xa: {  	s5 =	sshll.u32 s3, $0xA;
	s3 =	simm.s32 $0x0;
	s6 =	sshll.u32 s0, $0x9  }
0xb: {  	s7 =	simm.s32 $0xCA00;
	[smem:$0x7FF] =	sst s3;
	s5 =	sor.u32 s6, s5  }
0xc: {  	s0 =	ssub.s32 $0x2, s0;
	_ =	strace $0x80000047;
	s6 =	sshrl.u32 s5, $0x3  }
0xd: {  	s25 =	sshrl.u32 s0, $0x1;
	s5 =	sshll.u32 s5, $0x5;
	s2 =	sadd.s32 s2, s6  }
0xe: {  	s0 =	ssub.s32 s0, s25;
	s4 =	sadd.s32 s4, s5;
	[dreg:$0x4] =	wrdreg s2  }
0xf: {  	s25 =	simm.s32 $0x4A00;
	s23 =	sadd.s32 $0x1000, s4;
	[dreg:$0x8] =	wrdreg s4  }
0x10: {  	s5 =	smax.u32 s0, $0x1;
	s24 =	sadd.s32 $0x2000, s4;
	[dreg:$0x5] =	wrdreg s23  }
0x11: {  	v2 =	vlaneseq.u32;
	s6 =	simm.s32 $0xC200;
	s26 =	sadd.s32 $0x3000, s4;
	[dreg:$0x6] =	wrdreg s24  }
0x12: {  	vm0 =	vmmov $0xffff;
	v1 =	vshrl.u32 v2, $0x3;
	s4 =	simm.s32 $0x7A00;
	s2 =	simm.s32 $0x8200;
	[dreg:$0x7] =	wrdreg s26  }
0x13: {  	v0 =	vand.u32 $0x7, v2;
	v2 =	vor.u32 $0x8, v2;
	v1 =	vmul.u32 $0x8, v1;
	s24 =	simm.s32 $0x4200;
	s26 =	simm.s32 $0x5200;
	s23 =	simm.s32 $0x8A00  }
.LBB2_1:
0x14: {  	s16 =	rddreg [dreg:$0x4];
	s0 =	simm.s32 $0x3  }
0x15: {  	[tilespmem:s3], [sflag:$0x3] =	stream.linear.gather [hbm4b:s16+s3], $0x200, $0x38;
	[tilespmem:$0x10200] =	vst v63  }
0x16: {  	_ =	swait.ge [sflag:s0], $0x200  }
0x17: {  	[sflag:s0] =	ssyncset.done $0x0  }
0x18: {  	[sflag:s0] =	ssyncadd.s32 $0xFFFFFE00  }
0x19: {  	v3 =	vld [tilespmem:$0x0];
	_ =	sdelay $0x4  }
0x1a: {  	v4 =	vshll.u32 v3, $0x1  }
0x1b: {  	v3 =	vand.u32 $0x7, v3;
	v4 =	vand.u32 $0xFFFFFFF0, v4  }
0x1c: {  	v3 =	vor.u32 v3, v4  }
0x1d: {  	v4 =	vperm.xlane v3, v0;
	_ =	sdelay $0x1  }
0x1e: {  	v3 =	vperm.xlane v3, v2;
	v4 =	vadd.s32 v1, v4;
	_ =	sdelay $0x1  }
0x1f: {  	v3 =	vadd.s32 v1, v3;
	_ =	sdelay $0x1  }
0x20: {  	s16 =	simm.s32 $0x200  }
0x21: {  	[tilespmem:s16], [sflag:$0x1] =	stream.indirect_vreg.gather [hbm4b:s1+s3], $0x80, v4, vm0, $0xb8;
	[tilespmem:$0x10200] =	vst v63  }
0x22: {  	s16 =	simm.s32 $0xA00  }
0x23: {  	[tilespmem:s16], [sflag:$0x1] =	stream.indirect_vreg.gather [hbm4b:s1+s3], $0x80, v3, vm0, $0xb8;
	[tilespmem:$0x10200] =	vst v63  }
0x24: {  	v3 =	vld [tilespmem:$0x10];
	_ =	sdelay $0x4  }
0x25: {  	v33 =	vshll.u32 v3, $0x1  }
0x26: {  	v3 =	vand.u32 $0x7, v3;
	v4 =	vand.u32 $0xFFFFFFF0, v33  }
0x27: {  	v3 =	vor.u32 v3, v4  }
0x28: {  	v4 =	vperm.xlane v3, v0;
	_ =	sdelay $0x1  }
0x29: {  	v3 =	vperm.xlane v3, v2;
	v4 =	vadd.s32 v1, v4;
	_ =	sdelay $0x1  }
0x2a: {  	v3 =	vadd.s32 v1, v3;
	_ =	sdelay $0x2  }
0x2b: {  	[tilespmem:s17], [sflag:$0x1] =	stream.indirect_vreg.gather [hbm4b:s1+s3], $0x80, v4, vm0, $0xb8;
	[tilespmem:$0x10200] =	vst v63  }
0x2c: {  	_ = 	snop  }
0x2d: {  	[tilespmem:s18], [sflag:$0x1] =	stream.indirect_vreg.gather [hbm4b:s1+s3], $0x80, v3, vm0, $0xb8;
	[tilespmem:$0x10200] =	vst v63  }
0x2e: {  	v3 =	vld [tilespmem:$0x20];
	_ =	sdelay $0x4  }
0x2f: {  	v34 =	vshll.u32 v3, $0x1  }
0x30: {  	v3 =	vand.u32 $0x7, v3;
	v4 =	vand.u32 $0xFFFFFFF0, v34  }
0x31: {  	v3 =	vor.u32 v3, v4  }
0x32: {  	v4 =	vperm.xlane v3, v0;
	_ =	sdelay $0x1  }
0x33: {  	v3 =	vperm.xlane v3, v2;
	v4 =	vadd.s32 v1, v4;
	_ =	sdelay $0x1  }
0x34: {  	v3 =	vadd.s32 v1, v3;
	_ =	sdelay $0x2  }
0x35: {  	[tilespmem:s19], [sflag:$0x1] =	stream.indirect_vreg.gather [hbm4b:s1+s3], $0x80, v4, vm0, $0xb8;
	[tilespmem:$0x10200] =	vst v63  }
0x36: {  	_ = 	snop  }
0x37: {  	[tilespmem:s20], [sflag:$0x1] =	stream.indirect_vreg.gather [hbm4b:s1+s3], $0x80, v3, vm0, $0xb8;
	[tilespmem:$0x10200] =	vst v63  }
0x38: {  	v3 =	vld [tilespmem:$0x30];
	_ =	sdelay $0x4  }
0x39: {  	v35 =	vshll.u32 v3, $0x1  }
0x3a: {  	v3 =	vand.u32 $0x7, v3;
	v4 =	vand.u32 $0xFFFFFFF0, v35  }
0x3b: {  	v3 =	vor.u32 v3, v4  }
0x3c: {  	v4 =	vperm.xlane v3, v0;
	_ =	sdelay $0x1  }
0x3d: {  	v3 =	vperm.xlane v3, v2;
	v4 =	vadd.s32 v1, v4;
	_ =	sdelay $0x1  }
0x3e: {  	v3 =	vadd.s32 v1, v3;
	_ =	sdelay $0x2  }
0x3f: {  	[tilespmem:s21], [sflag:$0x1] =	stream.indirect_vreg.gather [hbm4b:s1+s3], $0x80, v4, vm0, $0xb8;
	[tilespmem:$0x10200] =	vst v63  }
0x40: {  	_ = 	snop  }
0x41: {  	[tilespmem:s22], [sflag:$0x1] =	stream.indirect_vreg.gather [hbm4b:s1+s3], $0x80, v3, vm0, $0xb8;
	[tilespmem:$0x10200] =	vst v63  }
0x42: {  	v3 =	vld [tilespmem:$0x40];
	_ =	sdelay $0x4  }
0x43: {  	v36 =	vshll.u32 v3, $0x1  }
0x44: {  	v3 =	vand.u32 $0x7, v3;
	v4 =	vand.u32 $0xFFFFFFF0, v36  }
0x45: {  	v3 =	vor.u32 v3, v4  }
0x46: {  	v4 =	vperm.xlane v3, v0;
	_ =	sdelay $0x1  }
0x47: {  	v3 =	vperm.xlane v3, v2;
	v4 =	vadd.s32 v1, v4;
	_ =	sdelay $0x1  }
0x48: {  	v3 =	vadd.s32 v1, v3;
	_ =	sdelay $0x2  }
0x49: {  	[tilespmem:s24], [sflag:$0x1] =	stream.indirect_vreg.gather [hbm4b:s1+s3], $0x80, v4, vm0, $0xb8;
	[tilespmem:$0x10200] =	vst v63  }
0x4a: {  	_ = 	snop  }
0x4b: {  	[tilespmem:s25], [sflag:$0x1] =	stream.indirect_vreg.gather [hbm4b:s1+s3], $0x80, v3, vm0, $0xb8;
	[tilespmem:$0x10200] =	vst v63  }
0x4c: {  	v3 =	vld [tilespmem:$0x50];
	_ =	sdelay $0x4  }
0x4d: {  	v37 =	vshll.u32 v3, $0x1  }
0x4e: {  	v3 =	vand.u32 $0x7, v3;
	v4 =	vand.u32 $0xFFFFFFF0, v37  }
0x4f: {  	v3 =	vor.u32 v3, v4  }
0x50: {  	v4 =	vperm.xlane v3, v0;
	_ =	sdelay $0x1  }
0x51: {  	v3 =	vperm.xlane v3, v2;
	v4 =	vadd.s32 v1, v4;
	_ =	sdelay $0x1  }
0x52: {  	v3 =	vadd.s32 v1, v3;
	_ =	sdelay $0x2  }
0x53: {  	[tilespmem:s26], [sflag:$0x1] =	stream.indirect_vreg.gather [hbm4b:s1+s3], $0x80, v4, vm0, $0xb8;
	[tilespmem:$0x10200] =	vst v63  }
0x54: {  	_ = 	snop  }
0x55: {  	[tilespmem:s28], [sflag:$0x1] =	stream.indirect_vreg.gather [hbm4b:s1+s3], $0x80, v3, vm0, $0xb8;
	[tilespmem:$0x10200] =	vst v63  }
0x56: {  	v3 =	vld [tilespmem:$0x60];
	_ =	sdelay $0x4  }
0x57: {  	v38 =	vshll.u32 v3, $0x1  }
0x58: {  	v3 =	vand.u32 $0x7, v3;
	v4 =	vand.u32 $0xFFFFFFF0, v38  }
0x59: {  	v3 =	vor.u32 v3, v4  }
0x5a: {  	v4 =	vperm.xlane v3, v0;
	_ =	sdelay $0x1  }
0x5b: {  	v3 =	vperm.xlane v3, v2;
	v4 =	vadd.s32 v1, v4;
	_ =	sdelay $0x1  }
0x5c: {  	v3 =	vadd.s32 v1, v3;
	_ =	sdelay $0x2  }
0x5d: {  	[tilespmem:s29], [sflag:$0x1] =	stream.indirect_vreg.gather [hbm4b:s1+s3], $0x80, v4, vm0, $0xb8;
	[tilespmem:$0x10200] =	vst v63  }
0x5e: {  	_ = 	snop  }
0x5f: {  	[tilespmem:s30], [sflag:$0x1] =	stream.indirect_vreg.gather [hbm4b:s1+s3], $0x80, v3, vm0, $0xb8;
	[tilespmem:$0x10200] =	vst v63  }
0x60: {  	v3 =	vld [tilespmem:$0x70];
	_ =	sdelay $0x4  }
0x61: {  	v39 =	vshll.u32 v3, $0x1  }
0x62: {  	v3 =	vand.u32 $0x7, v3;
	v4 =	vand.u32 $0xFFFFFFF0, v39  }
0x63: {  	v3 =	vor.u32 v3, v4  }
0x64: {  	v4 =	vperm.xlane v3, v0;
	_ =	sdelay $0x1  }
0x65: {  	v3 =	vperm.xlane v3, v2;
	v4 =	vadd.s32 v1, v4;
	_ =	sdelay $0x1  }
0x66: {  	v3 =	vadd.s32 v1, v3;
	_ =	sdelay $0x2  }
0x67: {  	[tilespmem:s31], [sflag:$0x1] =	stream.indirect_vreg.gather [hbm4b:s1+s3], $0x80, v4, vm0, $0xb8;
	[tilespmem:$0x10200] =	vst v63  }
0x68: {  	_ = 	snop  }
0x69: {  	[tilespmem:s4], [sflag:$0x1] =	stream.indirect_vreg.gather [hbm4b:s1+s3], $0x80, v3, vm0, $0xb8;
	[tilespmem:$0x10200] =	vst v63  }
0x6a: {  	v3 =	vld [tilespmem:$0x80];
	_ =	sdelay $0x4  }
0x6b: {  	v40 =	vshll.u32 v3, $0x1  }
0x6c: {  	v3 =	vand.u32 $0x7, v3;
	v4 =	vand.u32 $0xFFFFFFF0, v40  }
0x6d: {  	v3 =	vor.u32 v3, v4  }
0x6e: {  	v4 =	vperm.xlane v3, v0;
	_ =	sdelay $0x1  }
0x6f: {  	v3 =	vperm.xlane v3, v2;
	v4 =	vadd.s32 v1, v4;
	_ =	sdelay $0x1  }
0x70: {  	v3 =	vadd.s32 v1, v3;
	_ =	sdelay $0x2  }
0x71: {  	[tilespmem:s2], [sflag:$0x1] =	stream.indirect_vreg.gather [hbm4b:s1+s3], $0x80, v4, vm0, $0xb8;
	[tilespmem:$0x10200] =	vst v63  }
0x72: {  	_ = 	snop  }
0x73: {  	[tilespmem:s23], [sflag:$0x1] =	stream.indirect_vreg.gather [hbm4b:s1+s3], $0x80, v3, vm0, $0xb8;
	[tilespmem:$0x10200] =	vst v63  }
0x74: {  	v3 =	vld [tilespmem:$0x90];
	_ =	sdelay $0x4  }
0x75: {  	v41 =	vshll.u32 v3, $0x1  }
0x76: {  	v3 =	vand.u32 $0x7, v3;
	v4 =	vand.u32 $0xFFFFFFF0, v41  }
0x77: {  	v3 =	vor.u32 v3, v4  }
0x78: {  	v4 =	vperm.xlane v3, v0;
	_ =	sdelay $0x1  }
0x79: {  	v3 =	vperm.xlane v3, v2;
	v4 =	vadd.s32 v1, v4;
	_ =	sdelay $0x1  }
0x7a: {  	v3 =	vadd.s32 v1, v3;
	_ =	sdelay $0x2  }
0x7b: {  	[tilespmem:s8], [sflag:$0x1] =	stream.indirect_vreg.gather [hbm4b:s1+s3], $0x80, v4, vm0, $0xb8;
	[tilespmem:$0x10200] =	vst v63  }
0x7c: {  	_ = 	snop  }
0x7d: {  	[tilespmem:s9], [sflag:$0x1] =	stream.indirect_vreg.gather [hbm4b:s1+s3], $0x80, v3, vm0, $0xb8;
	[tilespmem:$0x10200] =	vst v63  }
0x7e: {  	v3 =	vld [tilespmem:$0xA0];
	_ =	sdelay $0x4  }
0x7f: {  	v42 =	vshll.u32 v3, $0x1  }
0x80: {  	v3 =	vand.u32 $0x7, v3;
	v4 =	vand.u32 $0xFFFFFFF0, v42  }
0x81: {  	v3 =	vor.u32 v3, v4  }
0x82: {  	v4 =	vperm.xlane v3, v0;
	_ =	sdelay $0x1  }
0x83: {  	v3 =	vperm.xlane v3, v2;
	v4 =	vadd.s32 v1, v4;
	_ =	sdelay $0x1  }
0x84: {  	v3 =	vadd.s32 v1, v3;
	_ =	sdelay $0x2  }
0x85: {  	[tilespmem:s10], [sflag:$0x1] =	stream.indirect_vreg.gather [hbm4b:s1+s3], $0x80, v4, vm0, $0xb8;
	[tilespmem:$0x10200] =	vst v63  }
0x86: {  	_ = 	snop  }
0x87: {  	[tilespmem:s11], [sflag:$0x1] =	stream.indirect_vreg.gather [hbm4b:s1+s3], $0x80, v3, vm0, $0xb8;
	[tilespmem:$0x10200] =	vst v63  }
0x88: {  	v3 =	vld [tilespmem:$0xB0];
	_ =	sdelay $0x4  }
0x89: {  	v43 =	vshll.u32 v3, $0x1  }
0x8a: {  	v3 =	vand.u32 $0x7, v3;
	v4 =	vand.u32 $0xFFFFFFF0, v43  }
0x8b: {  	v3 =	vor.u32 v3, v4  }
0x8c: {  	v4 =	vperm.xlane v3, v0;
	_ =	sdelay $0x1  }
0x8d: {  	v3 =	vperm.xlane v3, v2;
	v4 =	vadd.s32 v1, v4;
	_ =	sdelay $0x1  }
0x8e: {  	v3 =	vadd.s32 v1, v3;
	_ =	sdelay $0x1  }
0x8f: {  	s12 =	simm.s32 $0xB200  }
0x90: {  	[tilespmem:s12], [sflag:$0x1] =	stream.indirect_vreg.gather [hbm4b:s1+s3], $0x80, v4, vm0, $0xb8;
	[tilespmem:$0x10200] =	vst v63  }
0x91: {  	_ = 	snop  }
0x92: {  	[tilespmem:s13], [sflag:$0x1] =	stream.indirect_vreg.gather [hbm4b:s1+s3], $0x80, v3, vm0, $0xb8;
	[tilespmem:$0x10200] =	vst v63  }
0x93: {  	v3 =	vld [tilespmem:$0xC0];
	_ =	sdelay $0x4  }
0x94: {  	v44 =	vshll.u32 v3, $0x1  }
0x95: {  	v3 =	vand.u32 $0x7, v3;
	v4 =	vand.u32 $0xFFFFFFF0, v44  }
0x96: {  	v3 =	vor.u32 v3, v4  }
0x97: {  	v4 =	vperm.xlane v3, v0;
	_ =	sdelay $0x1  }
0x98: {  	v3 =	vperm.xlane v3, v2;
	v4 =	vadd.s32 v1, v4;
	_ =	sdelay $0x1  }
0x99: {  	v3 =	vadd.s32 v1, v3;
	_ =	sdelay $0x2  }
0x9a: {  	[tilespmem:s6], [sflag:$0x1] =	stream.indirect_vreg.gather [hbm4b:s1+s3], $0x80, v4, vm0, $0xb8;
	[tilespmem:$0x10200] =	vst v63  }
0x9b: {  	_ = 	snop  }
0x9c: {  	[tilespmem:s7], [sflag:$0x1] =	stream.indirect_vreg.gather [hbm4b:s1+s3], $0x80, v3, vm0, $0xb8;
	[tilespmem:$0x10200] =	vst v63  }
0x9d: {  	v3 =	vld [tilespmem:$0xD0];
	_ =	sdelay $0x4  }
0x9e: {  	v45 =	vshll.u32 v3, $0x1  }
0x9f: {  	v3 =	vand.u32 $0x7, v3;
	v4 =	vand.u32 $0xFFFFFFF0, v45  }
0xa0: {  	v3 =	vor.u32 v3, v4  }
0xa1: {  	v4 =	vperm.xlane v3, v0;
	_ =	sdelay $0x1  }
0xa2: {  	v3 =	vperm.xlane v3, v2;
	v4 =	vadd.s32 v1, v4;
	_ =	sdelay $0x1  }
0xa3: {  	v3 =	vadd.s32 v1, v3;
	_ =	sdelay $0x1  }
0xa4: {  	s12 =	simm.s32 $0xD200  }
0xa5: {  	[tilespmem:s12], [sflag:$0x1] =	stream.indirect_vreg.gather [hbm4b:s1+s3], $0x80, v4, vm0, $0xb8;
	[tilespmem:$0x10200] =	vst v63  }
0xa6: {  	s12 =	simm.s32 $0xDA00  }
0xa7: {  	[tilespmem:s12], [sflag:$0x1] =	stream.indirect_vreg.gather [hbm4b:s1+s3], $0x80, v3, vm0, $0xb8;
	[tilespmem:$0x10200] =	vst v63  }
0xa8: {  	v3 =	vld [tilespmem:$0xE0];
	_ =	sdelay $0x4  }
0xa9: {  	v46 =	vshll.u32 v3, $0x1  }
0xaa: {  	v3 =	vand.u32 $0x7, v3;
	v4 =	vand.u32 $0xFFFFFFF0, v46  }
0xab: {  	v3 =	vor.u32 v3, v4  }
0xac: {  	v4 =	vperm.xlane v3, v0;
	_ =	sdelay $0x1  }
0xad: {  	v3 =	vperm.xlane v3, v2;
	v4 =	vadd.s32 v1, v4;
	_ =	sdelay $0x1  }
0xae: {  	v3 =	vadd.s32 v1, v3;
	_ =	sdelay $0x1  }
0xaf: {  	s12 =	simm.s32 $0xE200  }
0xb0: {  	[tilespmem:s12], [sflag:$0x1] =	stream.indirect_vreg.gather [hbm4b:s1+s3], $0x80, v4, vm0, $0xb8;
	[tilespmem:$0x10200] =	vst v63  }
0xb1: {  	s12 =	simm.s32 $0xEA00  }
0xb2: {  	[tilespmem:s12], [sflag:$0x1] =	stream.indirect_vreg.gather [hbm4b:s1+s3], $0x80, v3, vm0, $0xb8;
	[tilespmem:$0x10200] =	vst v63  }
0xb3: {  	v3 =	vld [tilespmem:$0xF0];
	_ =	sdelay $0x4  }
0xb4: {  	v47 =	vshll.u32 v3, $0x1  }
0xb5: {  	v3 =	vand.u32 $0x7, v3;
	v4 =	vand.u32 $0xFFFFFFF0, v47  }
0xb6: {  	v3 =	vor.u32 v3, v4  }
0xb7: {  	v4 =	vperm.xlane v3, v0;
	_ =	sdelay $0x1  }
0xb8: {  	v3 =	vperm.xlane v3, v2;
	v4 =	vadd.s32 v1, v4;
	_ =	sdelay $0x1  }
0xb9: {  	v3 =	vadd.s32 v1, v3;
	_ =	sdelay $0x1  }
0xba: {  	s12 =	simm.s32 $0xF200  }
0xbb: {  	[tilespmem:s12], [sflag:$0x1] =	stream.indirect_vreg.gather [hbm4b:s1+s3], $0x80, v4, vm0, $0xb8;
	[tilespmem:$0x10200] =	vst v63  }
0xbc: {  	s12 =	simm.s32 $0xFA00  }
0xbd: {  	[tilespmem:s12], [sflag:$0x1] =	stream.indirect_vreg.gather [hbm4b:s1+s3], $0x80, v3, vm0, $0xb8;
	[tilespmem:$0x10200] =	vst v63  }
0xbe: {  	_ =	swait.ge [sflag:s14], $0x8000  }
0xbf: {  	[sflag:s14] =	ssyncset.done $0x0  }
0xc0: {  	s0 =	simm.s32 $0x200;
	s12 =	rddreg [dreg:$0x8];
	[sflag:s14] =	ssyncadd.s32 $0xFFFF8000  }
0xc1: {  	[hbm4b:s12+s3] =	stream.linear.scatter [tilespmem:s0], [sflag:$0x2], $0x8000, $0x38;
	[tilespmem:$0x10200] =	vst v63  }
0xc2: {  	_ =	swait.ge [sflag:s15], $0x8000  }
0xc3: {  	[sflag:s15] =	ssyncset.done $0x0  }
0xc4: {  	[sflag:s15] =	ssyncadd.s32 $0xFFFF8000  }
0xc5: {  	v3 =	vld [tilespmem:$0x100];
	_ =	sdelay $0x4  }
0xc6: {  	v48 =	vshll.u32 v3, $0x1  }
0xc7: {  	v3 =	vand.u32 $0x7, v3;
	v4 =	vand.u32 $0xFFFFFFF0, v48  }
0xc8: {  	v3 =	vor.u32 v3, v4  }
0xc9: {  	v4 =	vperm.xlane v3, v0;
	_ =	sdelay $0x1  }
0xca: {  	v3 =	vperm.xlane v3, v2;
	v4 =	vadd.s32 v1, v4;
	_ =	sdelay $0x1  }
0xcb: {  	v3 =	vadd.s32 v1, v3;
	_ =	sdelay $0x2  }
0xcc: {  	[tilespmem:s0], [sflag:$0x1] =	stream.indirect_vreg.gather [hbm4b:s1+s3], $0x80, v4, vm0, $0xb8;
	[tilespmem:$0x10200] =	vst v63  }
0xcd: {  	_ = 	snop  }
0xce: {  	[tilespmem:s16], [sflag:$0x1] =	stream.indirect_vreg.gather [hbm4b:s1+s3], $0x80, v3, vm0, $0xb8;
	[tilespmem:$0x10200] =	vst v63  }
0xcf: {  	v3 =	vld [tilespmem:$0x110];
	_ =	sdelay $0x4  }
0xd0: {  	v49 =	vshll.u32 v3, $0x1  }
0xd1: {  	v3 =	vand.u32 $0x7, v3;
	v4 =	vand.u32 $0xFFFFFFF0, v49  }
0xd2: {  	v3 =	vor.u32 v3, v4  }
0xd3: {  	v4 =	vperm.xlane v3, v0;
	_ =	sdelay $0x1  }
0xd4: {  	v3 =	vperm.xlane v3, v2;
	v4 =	vadd.s32 v1, v4;
	_ =	sdelay $0x1  }
0xd5: {  	v3 =	vadd.s32 v1, v3;
	_ =	sdelay $0x2  }
0xd6: {  	[tilespmem:s17], [sflag:$0x1] =	stream.indirect_vreg.gather [hbm4b:s1+s3], $0x80, v4, vm0, $0xb8;
	[tilespmem:$0x10200] =	vst v63  }
0xd7: {  	_ = 	snop  }
0xd8: {  	[tilespmem:s18], [sflag:$0x1] =	stream.indirect_vreg.gather [hbm4b:s1+s3], $0x80, v3, vm0, $0xb8;
	[tilespmem:$0x10200] =	vst v63  }
0xd9: {  	v3 =	vld [tilespmem:$0x120];
	_ =	sdelay $0x4  }
0xda: {  	v50 =	vshll.u32 v3, $0x1  }
0xdb: {  	v3 =	vand.u32 $0x7, v3;
	v4 =	vand.u32 $0xFFFFFFF0, v50  }
0xdc: {  	v3 =	vor.u32 v3, v4  }
0xdd: {  	v4 =	vperm.xlane v3, v0;
	_ =	sdelay $0x1  }
0xde: {  	v3 =	vperm.xlane v3, v2;
	v4 =	vadd.s32 v1, v4;
	_ =	sdelay $0x1  }
0xdf: {  	v3 =	vadd.s32 v1, v3;
	_ =	sdelay $0x2  }
0xe0: {  	[tilespmem:s19], [sflag:$0x1] =	stream.indirect_vreg.gather [hbm4b:s1+s3], $0x80, v4, vm0, $0xb8;
	[tilespmem:$0x10200] =	vst v63  }
0xe1: {  	_ = 	snop  }
0xe2: {  	[tilespmem:s20], [sflag:$0x1] =	stream.indirect_vreg.gather [hbm4b:s1+s3], $0x80, v3, vm0, $0xb8;
	[tilespmem:$0x10200] =	vst v63  }
0xe3: {  	v3 =	vld [tilespmem:$0x130];
	_ =	sdelay $0x4  }
0xe4: {  	v51 =	vshll.u32 v3, $0x1  }
0xe5: {  	v3 =	vand.u32 $0x7, v3;
	v4 =	vand.u32 $0xFFFFFFF0, v51  }
0xe6: {  	v3 =	vor.u32 v3, v4  }
0xe7: {  	v4 =	vperm.xlane v3, v0;
	_ =	sdelay $0x1  }
0xe8: {  	v3 =	vperm.xlane v3, v2;
	v4 =	vadd.s32 v1, v4;
	_ =	sdelay $0x1  }
0xe9: {  	v3 =	vadd.s32 v1, v3;
	_ =	sdelay $0x2  }
0xea: {  	[tilespmem:s21], [sflag:$0x1] =	stream.indirect_vreg.gather [hbm4b:s1+s3], $0x80, v4, vm0, $0xb8;
	[tilespmem:$0x10200] =	vst v63  }
0xeb: {  	_ = 	snop  }
0xec: {  	[tilespmem:s22], [sflag:$0x1] =	stream.indirect_vreg.gather [hbm4b:s1+s3], $0x80, v3, vm0, $0xb8;
	[tilespmem:$0x10200] =	vst v63  }
0xed: {  	v3 =	vld [tilespmem:$0x140];
	_ =	sdelay $0x4  }
0xee: {  	v52 =	vshll.u32 v3, $0x1  }
0xef: {  	v3 =	vand.u32 $0x7, v3;
	v4 =	vand.u32 $0xFFFFFFF0, v52  }
0xf0: {  	v3 =	vor.u32 v3, v4  }
0xf1: {  	v4 =	vperm.xlane v3, v0;
	_ =	sdelay $0x1  }
0xf2: {  	v3 =	vperm.xlane v3, v2;
	v4 =	vadd.s32 v1, v4;
	_ =	sdelay $0x1  }
0xf3: {  	v3 =	vadd.s32 v1, v3;
	_ =	sdelay $0x2  }
0xf4: {  	[tilespmem:s24], [sflag:$0x1] =	stream.indirect_vreg.gather [hbm4b:s1+s3], $0x80, v4, vm0, $0xb8;
	[tilespmem:$0x10200] =	vst v63  }
0xf5: {  	_ = 	snop  }
0xf6: {  	[tilespmem:s25], [sflag:$0x1] =	stream.indirect_vreg.gather [hbm4b:s1+s3], $0x80, v3, vm0, $0xb8;
	[tilespmem:$0x10200] =	vst v63  }
0xf7: {  	v3 =	vld [tilespmem:$0x150];
	_ =	sdelay $0x4  }
0xf8: {  	v53 =	vshll.u32 v3, $0x1  }
0xf9: {  	v3 =	vand.u32 $0x7, v3;
	v4 =	vand.u32 $0xFFFFFFF0, v53  }
0xfa: {  	v3 =	vor.u32 v3, v4  }
0xfb: {  	v4 =	vperm.xlane v3, v0;
	_ =	sdelay $0x1  }
0xfc: {  	v3 =	vperm.xlane v3, v2;
	v4 =	vadd.s32 v1, v4;
	_ =	sdelay $0x1  }
0xfd: {  	v3 =	vadd.s32 v1, v3;
	_ =	sdelay $0x2  }
0xfe: {  	[tilespmem:s26], [sflag:$0x1] =	stream.indirect_vreg.gather [hbm4b:s1+s3], $0x80, v4, vm0, $0xb8;
	[tilespmem:$0x10200] =	vst v63  }
0xff: {  	_ = 	snop  }
0x100: {  	[tilespmem:s28], [sflag:$0x1] =	stream.indirect_vreg.gather [hbm4b:s1+s3], $0x80, v3, vm0, $0xb8;
	[tilespmem:$0x10200] =	vst v63  }
0x101: {  	v3 =	vld [tilespmem:$0x160];
	_ =	sdelay $0x4  }
0x102: {  	v54 =	vshll.u32 v3, $0x1  }
0x103: {  	v3 =	vand.u32 $0x7, v3;
	v4 =	vand.u32 $0xFFFFFFF0, v54  }
0x104: {  	v3 =	vor.u32 v3, v4  }
0x105: {  	v4 =	vperm.xlane v3, v0;
	_ =	sdelay $0x1  }
0x106: {  	v3 =	vperm.xlane v3, v2;
	v4 =	vadd.s32 v1, v4;
	_ =	sdelay $0x1  }
0x107: {  	v3 =	vadd.s32 v1, v3;
	_ =	sdelay $0x2  }
0x108: {  	[tilespmem:s29], [sflag:$0x1] =	stream.indirect_vreg.gather [hbm4b:s1+s3], $0x80, v4, vm0, $0xb8;
	[tilespmem:$0x10200] =	vst v63  }
0x109: {  	_ = 	snop  }
0x10a: {  	[tilespmem:s30], [sflag:$0x1] =	stream.indirect_vreg.gather [hbm4b:s1+s3], $0x80, v3, vm0, $0xb8;
	[tilespmem:$0x10200] =	vst v63  }
0x10b: {  	v3 =	vld [tilespmem:$0x170];
	_ =	sdelay $0x4  }
0x10c: {  	v55 =	vshll.u32 v3, $0x1  }
0x10d: {  	v3 =	vand.u32 $0x7, v3;
	v4 =	vand.u32 $0xFFFFFFF0, v55  }
0x10e: {  	v3 =	vor.u32 v3, v4  }
0x10f: {  	v4 =	vperm.xlane v3, v0;
	_ =	sdelay $0x1  }
0x110: {  	v3 =	vperm.xlane v3, v2;
	v4 =	vadd.s32 v1, v4;
	_ =	sdelay $0x1  }
0x111: {  	v3 =	vadd.s32 v1, v3;
	_ =	sdelay $0x2  }
0x112: {  	[tilespmem:s31], [sflag:$0x1] =	stream.indirect_vreg.gather [hbm4b:s1+s3], $0x80, v4, vm0, $0xb8;
	[tilespmem:$0x10200] =	vst v63  }
0x113: {  	_ = 	snop  }
0x114: {  	[tilespmem:s4], [sflag:$0x1] =	stream.indirect_vreg.gather [hbm4b:s1+s3], $0x80, v3, vm0, $0xb8;
	[tilespmem:$0x10200] =	vst v63  }
0x115: {  	_ =	swait.ge [sflag:s14], $0x8000  }
0x116: {  	[sflag:s14] =	ssyncset.done $0x0  }
0x117: {  	s0 =	rddreg [dreg:$0x5];
	[sflag:s14] =	ssyncadd.s32 $0xFFFF8000  }
0x118: {  	[hbm4b:s0+s3] =	stream.linear.scatter [tilespmem:s2], [sflag:$0x2], $0x8000, $0x38;
	[tilespmem:$0x10200] =	vst v63  }
0x119: {  	_ =	swait.ge [sflag:s15], $0x8000  }
0x11a: {  	[sflag:s15] =	ssyncset.done $0x0  }
0x11b: {  	[sflag:s15] =	ssyncadd.s32 $0xFFFF8000  }
0x11c: {  	v3 =	vld [tilespmem:$0x180];
	_ =	sdelay $0x4  }
0x11d: {  	v56 =	vshll.u32 v3, $0x1  }
0x11e: {  	v3 =	vand.u32 $0x7, v3;
	v4 =	vand.u32 $0xFFFFFFF0, v56  }
0x11f: {  	v3 =	vor.u32 v3, v4  }
0x120: {  	v4 =	vperm.xlane v3, v0;
	_ =	sdelay $0x1  }
0x121: {  	v3 =	vperm.xlane v3, v2;
	v4 =	vadd.s32 v1, v4;
	_ =	sdelay $0x1  }
0x122: {  	v3 =	vadd.s32 v1, v3;
	_ =	sdelay $0x2  }
0x123: {  	[tilespmem:s2], [sflag:$0x1] =	stream.indirect_vreg.gather [hbm4b:s1+s3], $0x80, v4, vm0, $0xb8;
	[tilespmem:$0x10200] =	vst v63  }
0x124: {  	_ = 	snop  }
0x125: {  	[tilespmem:s23], [sflag:$0x1] =	stream.indirect_vreg.gather [hbm4b:s1+s3], $0x80, v3, vm0, $0xb8;
	[tilespmem:$0x10200] =	vst v63  }
0x126: {  	v3 =	vld [tilespmem:$0x190];
	_ =	sdelay $0x4  }
0x127: {  	v57 =	vshll.u32 v3, $0x1  }
0x128: {  	v3 =	vand.u32 $0x7, v3;
	v4 =	vand.u32 $0xFFFFFFF0, v57  }
0x129: {  	v3 =	vor.u32 v3, v4  }
0x12a: {  	v4 =	vperm.xlane v3, v0;
	_ =	sdelay $0x1  }
0x12b: {  	v3 =	vperm.xlane v3, v2;
	v4 =	vadd.s32 v1, v4;
	_ =	sdelay $0x1  }
0x12c: {  	v3 =	vadd.s32 v1, v3;
	_ =	sdelay $0x2  }
0x12d: {  	[tilespmem:s8], [sflag:$0x1] =	stream.indirect_vreg.gather [hbm4b:s1+s3], $0x80, v4, vm0, $0xb8;
	[tilespmem:$0x10200] =	vst v63  }
0x12e: {  	_ = 	snop  }
0x12f: {  	[tilespmem:s9], [sflag:$0x1] =	stream.indirect_vreg.gather [hbm4b:s1+s3], $0x80, v3, vm0, $0xb8;
	[tilespmem:$0x10200] =	vst v63  }
0x130: {  	v3 =	vld [tilespmem:$0x1A0];
	_ =	sdelay $0x4  }
0x131: {  	v58 =	vshll.u32 v3, $0x1  }
0x132: {  	v3 =	vand.u32 $0x7, v3;
	v4 =	vand.u32 $0xFFFFFFF0, v58  }
0x133: {  	v3 =	vor.u32 v3, v4  }
0x134: {  	v4 =	vperm.xlane v3, v0;
	_ =	sdelay $0x1  }
0x135: {  	v3 =	vperm.xlane v3, v2;
	v4 =	vadd.s32 v1, v4;
	_ =	sdelay $0x1  }
0x136: {  	v3 =	vadd.s32 v1, v3;
	_ =	sdelay $0x2  }
0x137: {  	[tilespmem:s10], [sflag:$0x1] =	stream.indirect_vreg.gather [hbm4b:s1+s3], $0x80, v4, vm0, $0xb8;
	[tilespmem:$0x10200] =	vst v63  }
0x138: {  	_ = 	snop  }
0x139: {  	[tilespmem:s11], [sflag:$0x1] =	stream.indirect_vreg.gather [hbm4b:s1+s3], $0x80, v3, vm0, $0xb8;
	[tilespmem:$0x10200] =	vst v63  }
0x13a: {  	v3 =	vld [tilespmem:$0x1B0];
	_ =	sdelay $0x4  }
0x13b: {  	v59 =	vshll.u32 v3, $0x1  }
0x13c: {  	v3 =	vand.u32 $0x7, v3;
	v4 =	vand.u32 $0xFFFFFFF0, v59  }
0x13d: {  	v3 =	vor.u32 v3, v4  }
0x13e: {  	v4 =	vperm.xlane v3, v0;
	_ =	sdelay $0x1  }
0x13f: {  	v3 =	vperm.xlane v3, v2;
	v4 =	vadd.s32 v1, v4;
	_ =	sdelay $0x1  }
0x140: {  	v3 =	vadd.s32 v1, v3;
	_ =	sdelay $0x1  }
0x141: {  	s16 =	simm.s32 $0xB200  }
0x142: {  	[tilespmem:s16], [sflag:$0x1] =	stream.indirect_vreg.gather [hbm4b:s1+s3], $0x80, v4, vm0, $0xb8;
	[tilespmem:$0x10200] =	vst v63  }
0x143: {  	_ = 	snop  }
0x144: {  	[tilespmem:s13], [sflag:$0x1] =	stream.indirect_vreg.gather [hbm4b:s1+s3], $0x80, v3, vm0, $0xb8;
	[tilespmem:$0x10200] =	vst v63  }
0x145: {  	v3 =	vld [tilespmem:$0x1C0];
	_ =	sdelay $0x4  }
0x146: {  	v60 =	vshll.u32 v3, $0x1  }
0x147: {  	v3 =	vand.u32 $0x7, v3;
	v4 =	vand.u32 $0xFFFFFFF0, v60  }
0x148: {  	v3 =	vor.u32 v3, v4  }
0x149: {  	v4 =	vperm.xlane v3, v0;
	_ =	sdelay $0x1  }
0x14a: {  	v3 =	vperm.xlane v3, v2;
	v4 =	vadd.s32 v1, v4;
	_ =	sdelay $0x1  }
0x14b: {  	v3 =	vadd.s32 v1, v3;
	_ =	sdelay $0x2  }
0x14c: {  	[tilespmem:s6], [sflag:$0x1] =	stream.indirect_vreg.gather [hbm4b:s1+s3], $0x80, v4, vm0, $0xb8;
	[tilespmem:$0x10200] =	vst v63  }
0x14d: {  	_ = 	snop  }
0x14e: {  	[tilespmem:s7], [sflag:$0x1] =	stream.indirect_vreg.gather [hbm4b:s1+s3], $0x80, v3, vm0, $0xb8;
	[tilespmem:$0x10200] =	vst v63  }
0x14f: {  	v3 =	vld [tilespmem:$0x1D0];
	_ =	sdelay $0x4  }
0x150: {  	v61 =	vshll.u32 v3, $0x1  }
0x151: {  	v3 =	vand.u32 $0x7, v3;
	v4 =	vand.u32 $0xFFFFFFF0, v61  }
0x152: {  	v3 =	vor.u32 v3, v4  }
0x153: {  	v4 =	vperm.xlane v3, v0;
	_ =	sdelay $0x1  }
0x154: {  	v3 =	vperm.xlane v3, v2;
	v4 =	vadd.s32 v1, v4;
	_ =	sdelay $0x1  }
0x155: {  	v3 =	vadd.s32 v1, v3;
	_ =	sdelay $0x1  }
0x156: {  	s16 =	simm.s32 $0xD200  }
0x157: {  	[tilespmem:s16], [sflag:$0x1] =	stream.indirect_vreg.gather [hbm4b:s1+s3], $0x80, v4, vm0, $0xb8;
	[tilespmem:$0x10200] =	vst v63  }
0x158: {  	s16 =	simm.s32 $0xDA00  }
0x159: {  	[tilespmem:s16], [sflag:$0x1] =	stream.indirect_vreg.gather [hbm4b:s1+s3], $0x80, v3, vm0, $0xb8;
	[tilespmem:$0x10200] =	vst v63  }
0x15a: {  	v3 =	vld [tilespmem:$0x1E0];
	_ =	sdelay $0x4  }
0x15b: {  	v62 =	vshll.u32 v3, $0x1  }
0x15c: {  	v3 =	vand.u32 $0x7, v3;
	v4 =	vand.u32 $0xFFFFFFF0, v62  }
0x15d: {  	v3 =	vor.u32 v3, v4  }
0x15e: {  	v4 =	vperm.xlane v3, v0;
	_ =	sdelay $0x1  }
0x15f: {  	v3 =	vperm.xlane v3, v2;
	v4 =	vadd.s32 v1, v4;
	_ =	sdelay $0x1  }
0x160: {  	v3 =	vadd.s32 v1, v3;
	_ =	sdelay $0x1  }
0x161: {  	s16 =	simm.s32 $0xE200  }
0x162: {  	[tilespmem:s16], [sflag:$0x1] =	stream.indirect_vreg.gather [hbm4b:s1+s3], $0x80, v4, vm0, $0xb8;
	[tilespmem:$0x10200] =	vst v63  }
0x163: {  	s16 =	simm.s32 $0xEA00  }
0x164: {  	[tilespmem:s16], [sflag:$0x1] =	stream.indirect_vreg.gather [hbm4b:s1+s3], $0x80, v3, vm0, $0xb8;
	[tilespmem:$0x10200] =	vst v63  }
0x165: {  	v3 =	vld [tilespmem:$0x1F0];
	_ =	sdelay $0x4  }
0x166: {  	v63 =	vshll.u32 v3, $0x1  }
0x167: {  	v3 =	vand.u32 $0x7, v3;
	v4 =	vand.u32 $0xFFFFFFF0, v63  }
0x168: {  	v3 =	vor.u32 v3, v4  }
0x169: {  	v4 =	vperm.xlane v3, v0;
	_ =	sdelay $0x1  }
0x16a: {  	v3 =	vperm.xlane v3, v2;
	v4 =	vadd.s32 v1, v4;
	_ =	sdelay $0x1  }
0x16b: {  	v3 =	vadd.s32 v1, v3;
	_ =	sdelay $0x1  }
0x16c: {  	s16 =	simm.s32 $0xF200  }
0x16d: {  	[tilespmem:s16], [sflag:$0x1] =	stream.indirect_vreg.gather [hbm4b:s1+s3], $0x80, v4, vm0, $0xb8;
	[tilespmem:$0x10200] =	vst v63  }
0x16e: {  	s16 =	simm.s32 $0xFA00  }
0x16f: {  	[tilespmem:s16], [sflag:$0x1] =	stream.indirect_vreg.gather [hbm4b:s1+s3], $0x80, v3, vm0, $0xb8;
	[tilespmem:$0x10200] =	vst v63  }
0x170: {  	_ =	swait.ge [sflag:s14], $0x8000  }
0x171: {  	[sflag:s14] =	ssyncset.done $0x0  }
0x172: {  	s12 =	simm.s32 $0x200;
	s0 =	rddreg [dreg:$0x6];
	[sflag:s14] =	ssyncadd.s32 $0xFFFF8000  }
0x173: {  	[hbm4b:s0+s3] =	stream.linear.scatter [tilespmem:s12], [sflag:$0x2], $0x8000, $0x38;
	[tilespmem:$0x10200] =	vst v63  }
0x174: {  	_ =	swait.ge [sflag:s15], $0x8000  }
0x175: {  	[sflag:s15] =	ssyncset.done $0x0  }
0x176: {  	[sflag:s15] =	ssyncadd.s32 $0xFFFF8000  }
0x177: {  	_ =	swait.ge [sflag:s14], $0x8000  }
0x178: {  	p0 =	sne.s32 s5, $0x1;
	[sflag:s14] =	ssyncset.done $0x0  }
.Ltmp0:
0x179: {  	s12 =	rddreg [dreg:$0x7];
	[sflag:s14] =	ssyncadd.s32 $0xFFFF8000;
	(pc) =	sbr.rel @p0 .LBB2_1-.Ltmp0, $4  }
0x17a: {  	[hbm4b:s12+s3] =	stream.linear.scatter [tilespmem:s2], [sflag:$0x2], $0x8000, $0x38;
	[tilespmem:$0x10200] =	vst v63  }
0x17b: {  	_ =	swait.ge [sflag:s15], $0x8000  }
0x17c: {  	[sflag:s15] =	ssyncset.done $0x0  }
0x17d: {  	s5 =	sadd.s32 $0xFFFFFFFF, s5;
	[sflag:s15] =	ssyncadd.s32 $0xFFFF8000  }
0x17e: {  	_ =	sfence.sel $0x180000  }
0x17f: {  	[bflag:$0x0] =	sbarrier.arrive $0xFFFF  }
0x180: {  	_ =	strace $0x90000047  }
0x181: {  	s0 =	stileid.u32;
	[bflag:$0x2] =	sbarrier.arrive $0xFFFF  }
0x182: {  	p0 =	sne.s32 s0, $0x0;
	s0 =	rddreg [dreg:$0x3]  }
0x183: {  	s0 =	sadd.s32 @!p0 $0x100000, s0  }
0x184: {  	[sflag:s0] =	ssyncadd.tile.s32 @!p0 $0x1;
	_ =	shalt  }
.Lfunc_end2:
_tile_overlayer_lowered:
.L_overlay_start_2:
0x185: {  	(tag) =	ssettag $0x2  }
0x186: {  	s0 =	rddreg [dreg:$0x0];
	s2 =	stileid.u32  }
0x187: {  	s1 =	rddreg [dreg:$0x1];
	p0 =	sne.s32 s2, $0x0  }
0x188: {  	s3 =	rddreg [dreg:$0x2];
	[bflag:$0x3] =	sbarrier.arrive $0xFFFF;
	s2 =	simm.s32 @!p0 $0x1C03  }
0x189: {  	[timem:s3], [sflag:s2] =	dma.local @!p0 [hbm:s0], s1  }
0x18a: {  	s0 =	simm.s32 @!p0 $0x3  }
0x18b: {  	_ =	swait.ge @!p0 [sflag:s0], s1  }
0x18c: {  	s1 =	ssub.s32 @!p0 $0x0, s1;
	[sflag:s0] =	ssyncset.done @!p0 $0x0  }
0x18d: {  	[sflag:s0] =	ssyncadd.s32 @!p0 s1  }
0x18e: {  	[bflag:$0x3] =	sbarrier.arrive $0xFFFF  }
0x18f: {  	_ =	shalt  }

</sc_bundles>
